<compile_context>
chip_gen: v7x
topology: tpu7x:2x2x1
jax: 0.10.2.dev20260603
libtpu: 0.0.44.dev20260713+nightly
codegen_flags: <defaults>
</compile_context>

<pallas_src>
import jax
import jax.numpy as jnp
from jax import lax
from jax.experimental import pallas as pl
from jax.experimental.pallas import tpu as pltpu
from jax.experimental.pallas import tpu_sc as plsc

VOCAB = 100000
EMBED = 64
CTX = 8
BATCH = 1024

NC = 2
NS = 16
NW = NC * NS
B_PER_W = BATCH // NW
ROWS_PER_W = B_PER_W * CTX
IDX_CHUNK = 128
N_CHUNKS = ROWS_PER_W // IDX_CHUNK

VBLK = 5632


def _sc_gather_sum_body(idx_hbm, table_hbm, out_hbm, idx_v, rows_v, emb_v, sem):
    wid = lax.axis_index("s") * NC + lax.axis_index("c")
    base = wid * B_PER_W
    pltpu.sync_copy(idx_hbm.at[:, pl.ds(base, B_PER_W)], idx_v)
    copies = [
        pltpu.async_copy(
            table_hbm.at[idx_v.at[c]],
            rows_v.at[pl.ds(c * B_PER_W, B_PER_W)],
            sem,
        )
        for c in range(CTX)
    ]
    for cp in copies:
        cp.wait()

    zeros16 = jnp.zeros((16,), jnp.float32)

    def body(lb, carry):
        for d in range(EMBED // 16):
            col = pl.ds(d * 16, 16)
            acc = rows_v[lb, col]
            for c in range(1, CTX):
                acc = acc + rows_v[c * B_PER_W + lb, col]
            emb_v[lb, col] = acc
        for d in range(EMBED // 16):
            emb_v[lb, pl.ds(EMBED + d * 16, 16)] = zeros16
        return carry

    lax.fori_loop(0, B_PER_W, body, 0)
    pltpu.sync_copy(emb_v, out_hbm.at[pl.ds(base, B_PER_W)])


@jax.jit
def _sc_gather_sum(idx, table):
    mesh = plsc.VectorSubcoreMesh(core_axis_name="c", subcore_axis_name="s")
    return pl.kernel(
        _sc_gather_sum_body,
        out_type=jax.ShapeDtypeStruct((BATCH, 2 * EMBED), jnp.float32),
        mesh=mesh,
        scratch_types=[
            pltpu.VMEM((CTX, B_PER_W), jnp.int32),
            pltpu.VMEM((ROWS_PER_W, EMBED), jnp.float32),
            pltpu.VMEM((B_PER_W, 2 * EMBED), jnp.float32),
            pltpu.SemaphoreType.DMA,
        ],
        compiler_params=pltpu.CompilerParams(use_tc_tiling_on_sc=False),
    )(idx, table)


def _mm_body(w_ref, emb_ref, b_ref, out_ref):
    emb64 = emb_ref[...][:, :EMBED]
    out_ref[...] = (
        lax.dot_general(
            w_ref[...],
            emb64,
            (((1,), (1,)), ((), ())),
            preferred_element_type=jnp.float32,
        )
        + b_ref[...]
    )


@jax.jit
def _tc_project(embeds, W, b2d):
    grid = (pl.cdiv(VOCAB, VBLK),)
    return pl.pallas_call(
        _mm_body,
        grid=grid,
        in_specs=[
            pl.BlockSpec((VBLK, EMBED), lambda i: (i, 0)),
            pl.BlockSpec((BATCH, 2 * EMBED), lambda i: (0, 0)),
            pl.BlockSpec((VBLK, 1), lambda i: (i, 0)),
        ],
        out_specs=pl.BlockSpec((VBLK, BATCH), lambda i: (i, 0)),
        out_shape=jax.ShapeDtypeStruct((VOCAB, BATCH), jnp.float32),
        compiler_params=pltpu.CompilerParams(
            dimension_semantics=("parallel",),
            allow_input_fusion=(True, True, True),
        ),
    )(W, embeds, b2d)


def kernel(inputs, emb_table, W, b):
    embeds = _sc_gather_sum(inputs.astype(jnp.int32), emb_table)
    return _tc_project(embeds, W, b.reshape(VOCAB, 1)).T

# --- scband reference (transcript-rebuilt; emitter-appended) ---
"""Pipeline reference for scband-cbow-83047487635624 (READ-ONLY COPY).

The authoritative reference and input builder live on the scoring server;
editing this copy changes nothing except your own understanding.
"""

import jax, jax.numpy as jnp
import numpy as np

VOCAB = 100000
EMBED = 64
CTX = 8
BATCH = 1024

def setup_inputs(seed: int = 0) -> dict:
    key = jax.random.key(seed)
    k1, k2, k3 = jax.random.split(key, 3)
    inputs = jax.random.randint(k1, (CTX, BATCH), 0, VOCAB, dtype=jnp.int64 if jax.config.jax_enable_x64 else jnp.int32)
    emb_table = jax.random.normal(k2, (VOCAB, EMBED), dtype=jnp.float32)
    W = jax.random.normal(k3, (VOCAB, EMBED), dtype=jnp.float32) * 0.01
    b = jnp.zeros((VOCAB,), dtype=jnp.float32)
    return {"inputs": inputs, "emb_table": emb_table, "W": W, "b": b}

def reference(inputs, emb_table, W, b):
    # CBOW forward: embedding lookup, sum over context dim (dim=0), then linear to vocab
    lookup_embeds = jnp.take(emb_table, inputs, axis=0)  # [CTX, BATCH, EMBED]
    embeds = lookup_embeds.sum(axis=0)                   # [BATCH, EMBED]
    out = embeds @ W.T + b                               # [BATCH, VOCAB]
    return out

if __name__ == "__main__":
    import jax
    _d = setup_inputs()
    print(jax.jit(kernel)(*tuple(_d.values())))

</pallas_src>

<mosaic_0001>
#map = affine_map<(d0, d1) -> (0, 0)>
module attributes {stable_mosaic.version = 14 : i64} {
  func.func @_sc_gather_sum_body(%arg0: i32, %arg1: i32, %arg2: memref<8x1024xi32, #tpu.memory_space<hbm>>, %arg3: memref<100000x64xf32, #tpu.memory_space<hbm>>, %arg4: memref<1024x128xf32, #tpu.memory_space<hbm>>, %arg5: memref<8x32xi32, #tpu.memory_space<vmem>>, %arg6: memref<256x64xf32, #tpu.memory_space<vmem>>, %arg7: memref<32x128xf32, #tpu.memory_space<vmem>>, %arg8: memref<!tpu.dma_semaphore, #tpu.memory_space<semaphore_mem>>) attributes {dimension_semantics = [#tpu.dimension_semantics<core_parallel>, #tpu.dimension_semantics<subcore_parallel>], iteration_bounds = array<i64: 2, 16>, scalar_prefetch = 0 : i64, scratch_operands = 4 : i64, tpu.core_type = #tpu.core_type<sc_vector_subcore>, window_params = [{transform_indices = #map}, {transform_indices = #map}, {transform_indices = #map}]} {
    %mul3A = arith.constant 2 : i32
    %mul3A_0 = arith.muli %arg1, %mul3A : i32
    %add3A = arith.addi %mul3A_0, %arg0 : i32
    %mul3A_1 = arith.constant 32 : i32
    %mul3A_2 = arith.muli %add3A, %mul3A_1 : i32
    "tpu.region"() ({
      %run_scoped3A = tpu.sem_alloc : memref<!tpu.dma_semaphore, #tpu.memory_space<semaphore_mem>>
      %dma_start3A_167 = arith.constant 0 : i32
      %dma_start3A_168 = tpu.memref_slice %arg2[%dma_start3A_167, %mul3A_2] : memref<8x1024xi32, #tpu.memory_space<hbm>> -> memref<8x32xi32, #tpu.memory_space<hbm>>
      %dma_start3A_169 = arith.constant 0 : i32
      %dma_start3A_170 = tpu.memref_slice %arg2[%dma_start3A_169, %mul3A_2] : memref<8x1024xi32, #tpu.memory_space<hbm>> -> memref<8x32xi32, #tpu.memory_space<hbm>>
      tpu.enqueue_dma source(%dma_start3A_170 : memref<8x32xi32, #tpu.memory_space<hbm>>) target(%arg5 : memref<8x32xi32, #tpu.memory_space<vmem>>) target_semaphore(%run_scoped3A : memref<!tpu.dma_semaphore, #tpu.memory_space<semaphore_mem>>)
      %dma_wait3A_171 = arith.constant 0 : i32
      %dma_wait3A_172 = tpu.memref_slice %arg2[%dma_wait3A_171, %mul3A_2] : memref<8x1024xi32, #tpu.memory_space<hbm>> -> memref<8x32xi32, #tpu.memory_space<hbm>>
      %dma_wait3A_173 = arith.constant 0 : i32
      %dma_wait3A_174 = tpu.memref_slice %arg2[%dma_wait3A_173, %mul3A_2] : memref<8x1024xi32, #tpu.memory_space<hbm>> -> memref<8x32xi32, #tpu.memory_space<hbm>>
      tpu.wait_dma2 semaphore(%run_scoped3A : memref<!tpu.dma_semaphore, #tpu.memory_space<semaphore_mem>>) src(%dma_wait3A_174 : memref<8x32xi32, #tpu.memory_space<hbm>>) dst(%arg5 : memref<8x32xi32, #tpu.memory_space<vmem>>)
      tpu.yield
    }) : () -> ()
    %dma_start3A = arith.constant 0 : i32
    %dma_start3A_3 = arith.constant 0 : i32
    %dma_start3A_4 = arith.constant 0 : i32
    %dma_start3A_5 = tpu.memref_slice %arg6[%dma_start3A_3, %dma_start3A_4] : memref<256x64xf32, #tpu.memory_space<vmem>> -> memref<32x64xf32, #tpu.memory_space<vmem>>
    %dma_start3A_6 = arith.constant 0 : i32
    %dma_start3A_7 = tpu.memref_slice %arg5[%dma_start3A, %dma_start3A_6] : memref<8x32xi32, #tpu.memory_space<vmem>> -> memref<1x32xi32, #tpu.memory_space<vmem>>
    %dma_start3A_8 = tpu.memref_squeeze %dma_start3A_7 : memref<1x32xi32, #tpu.memory_space<vmem>> -> memref<32xi32, #tpu.memory_space<vmem>>
    %dma_start3A_9 = arith.constant 0 : i32
    %dma_start3A_10 = arith.constant 0 : i32
    %dma_start3A_11 = tpu.memref_slice %arg3[%dma_start3A_9, %dma_start3A_10] : memref<100000x64xf32, #tpu.memory_space<hbm>> -> memref<100000x64xf32, #tpu.memory_space<hbm>>
    tpu.enqueue_indirect_dma source(%dma_start3A_11 : memref<100000x64xf32, #tpu.memory_space<hbm>>) target(%dma_start3A_5 : memref<32x64xf32, #tpu.memory_space<vmem>>) offsets(%dma_start3A_8 : memref<32xi32, #tpu.memory_space<vmem>>) semaphore(%arg8 : memref<!tpu.dma_semaphore, #tpu.memory_space<semaphore_mem>>)
    %dma_start3A_12 = arith.constant 1 : i32
    %dma_start3A_13 = arith.constant 32 : i32
    %dma_start3A_14 = arith.constant 0 : i32
    %dma_start3A_15 = tpu.memref_slice %arg6[%dma_start3A_13, %dma_start3A_14] : memref<256x64xf32, #tpu.memory_space<vmem>> -> memref<32x64xf32, #tpu.memory_space<vmem>>
    %dma_start3A_16 = arith.constant 0 : i32
    %dma_start3A_17 = tpu.memref_slice %arg5[%dma_start3A_12, %dma_start3A_16] : memref<8x32xi32, #tpu.memory_space<vmem>> -> memref<1x32xi32, #tpu.memory_space<vmem>>
    %dma_start3A_18 = tpu.memref_squeeze %dma_start3A_17 : memref<1x32xi32, #tpu.memory_space<vmem>> -> memref<32xi32, #tpu.memory_space<vmem>>
    %dma_start3A_19 = arith.constant 0 : i32
    %dma_start3A_20 = arith.constant 0 : i32
    %dma_start3A_21 = tpu.memref_slice %arg3[%dma_start3A_19, %dma_start3A_20] : memref<100000x64xf32, #tpu.memory_space<hbm>> -> memref<100000x64xf32, #tpu.memory_space<hbm>>
    tpu.enqueue_indirect_dma source(%dma_start3A_21 : memref<100000x64xf32, #tpu.memory_space<hbm>>) target(%dma_start3A_15 : memref<32x64xf32, #tpu.memory_space<vmem>>) offsets(%dma_start3A_18 : memref<32xi32, #tpu.memory_space<vmem>>) semaphore(%arg8 : memref<!tpu.dma_semaphore, #tpu.memory_space<semaphore_mem>>)
    %dma_start3A_22 = arith.constant 2 : i32
    %dma_start3A_23 = arith.constant 64 : i32
    %dma_start3A_24 = arith.constant 0 : i32
    %dma_start3A_25 = tpu.memref_slice %arg6[%dma_start3A_23, %dma_start3A_24] : memref<256x64xf32, #tpu.memory_space<vmem>> -> memref<32x64xf32, #tpu.memory_space<vmem>>
    %dma_start3A_26 = arith.constant 0 : i32
    %dma_start3A_27 = tpu.memref_slice %arg5[%dma_start3A_22, %dma_start3A_26] : memref<8x32xi32, #tpu.memory_space<vmem>> -> memref<1x32xi32, #tpu.memory_space<vmem>>
    %dma_start3A_28 = tpu.memref_squeeze %dma_start3A_27 : memref<1x32xi32, #tpu.memory_space<vmem>> -> memref<32xi32, #tpu.memory_space<vmem>>
    %dma_start3A_29 = arith.constant 0 : i32
    %dma_start3A_30 = arith.constant 0 : i32
    %dma_start3A_31 = tpu.memref_slice %arg3[%dma_start3A_29, %dma_start3A_30] : memref<100000x64xf32, #tpu.memory_space<hbm>> -> memref<100000x64xf32, #tpu.memory_space<hbm>>
    tpu.enqueue_indirect_dma source(%dma_start3A_31 : memref<100000x64xf32, #tpu.memory_space<hbm>>) target(%dma_start3A_25 : memref<32x64xf32, #tpu.memory_space<vmem>>) offsets(%dma_start3A_28 : memref<32xi32, #tpu.memory_space<vmem>>) semaphore(%arg8 : memref<!tpu.dma_semaphore, #tpu.memory_space<semaphore_mem>>)
    %dma_start3A_32 = arith.constant 3 : i32
    %dma_start3A_33 = arith.constant 96 : i32
    %dma_start3A_34 = arith.constant 0 : i32
    %dma_start3A_35 = tpu.memref_slice %arg6[%dma_start3A_33, %dma_start3A_34] : memref<256x64xf32, #tpu.memory_space<vmem>> -> memref<32x64xf32, #tpu.memory_space<vmem>>
    %dma_start3A_36 = arith.constant 0 : i32
    %dma_start3A_37 = tpu.memref_slice %arg5[%dma_start3A_32, %dma_start3A_36] : memref<8x32xi32, #tpu.memory_space<vmem>> -> memref<1x32xi32, #tpu.memory_space<vmem>>
    %dma_start3A_38 = tpu.memref_squeeze %dma_start3A_37 : memref<1x32xi32, #tpu.memory_space<vmem>> -> memref<32xi32, #tpu.memory_space<vmem>>
    %dma_start3A_39 = arith.constant 0 : i32
    %dma_start3A_40 = arith.constant 0 : i32
    %dma_start3A_41 = tpu.memref_slice %arg3[%dma_start3A_39, %dma_start3A_40] : memref<100000x64xf32, #tpu.memory_space<hbm>> -> memref<100000x64xf32, #tpu.memory_space<hbm>>
    tpu.enqueue_indirect_dma source(%dma_start3A_41 : memref<100000x64xf32, #tpu.memory_space<hbm>>) target(%dma_start3A_35 : memref<32x64xf32, #tpu.memory_space<vmem>>) offsets(%dma_start3A_38 : memref<32xi32, #tpu.memory_space<vmem>>) semaphore(%arg8 : memref<!tpu.dma_semaphore, #tpu.memory_space<semaphore_mem>>)
    %dma_start3A_42 = arith.constant 4 : i32
    %dma_start3A_43 = arith.constant 128 : i32
    %dma_start3A_44 = arith.constant 0 : i32
    %dma_start3A_45 = tpu.memref_slice %arg6[%dma_start3A_43, %dma_start3A_44] : memref<256x64xf32, #tpu.memory_space<vmem>> -> memref<32x64xf32, #tpu.memory_space<vmem>>
    %dma_start3A_46 = arith.constant 0 : i32
    %dma_start3A_47 = tpu.memref_slice %arg5[%dma_start3A_42, %dma_start3A_46] : memref<8x32xi32, #tpu.memory_space<vmem>> -> memref<1x32xi32, #tpu.memory_space<vmem>>
    %dma_start3A_48 = tpu.memref_squeeze %dma_start3A_47 : memref<1x32xi32, #tpu.memory_space<vmem>> -> memref<32xi32, #tpu.memory_space<vmem>>
    %dma_start3A_49 = arith.constant 0 : i32
    %dma_start3A_50 = arith.constant 0 : i32
    %dma_start3A_51 = tpu.memref_slice %arg3[%dma_start3A_49, %dma_start3A_50] : memref<100000x64xf32, #tpu.memory_space<hbm>> -> memref<100000x64xf32, #tpu.memory_space<hbm>>
    tpu.enqueue_indirect_dma source(%dma_start3A_51 : memref<100000x64xf32, #tpu.memory_space<hbm>>) target(%dma_start3A_45 : memref<32x64xf32, #tpu.memory_space<vmem>>) offsets(%dma_start3A_48 : memref<32xi32, #tpu.memory_space<vmem>>) semaphore(%arg8 : memref<!tpu.dma_semaphore, #tpu.memory_space<semaphore_mem>>)
    %dma_start3A_52 = arith.constant 5 : i32
    %dma_start3A_53 = arith.constant 160 : i32
    %dma_start3A_54 = arith.constant 0 : i32
    %dma_start3A_55 = tpu.memref_slice %arg6[%dma_start3A_53, %dma_start3A_54] : memref<256x64xf32, #tpu.memory_space<vmem>> -> memref<32x64xf32, #tpu.memory_space<vmem>>
    %dma_start3A_56 = arith.constant 0 : i32
    %dma_start3A_57 = tpu.memref_slice %arg5[%dma_start3A_52, %dma_start3A_56] : memref<8x32xi32, #tpu.memory_space<vmem>> -> memref<1x32xi32, #tpu.memory_space<vmem>>
    %dma_start3A_58 = tpu.memref_squeeze %dma_start3A_57 : memref<1x32xi32, #tpu.memory_space<vmem>> -> memref<32xi32, #tpu.memory_space<vmem>>
    %dma_start3A_59 = arith.constant 0 : i32
    %dma_start3A_60 = arith.constant 0 : i32
    %dma_start3A_61 = tpu.memref_slice %arg3[%dma_start3A_59, %dma_start3A_60] : memref<100000x64xf32, #tpu.memory_space<hbm>> -> memref<100000x64xf32, #tpu.memory_space<hbm>>
    tpu.enqueue_indirect_dma source(%dma_start3A_61 : memref<100000x64xf32, #tpu.memory_space<hbm>>) target(%dma_start3A_55 : memref<32x64xf32, #tpu.memory_space<vmem>>) offsets(%dma_start3A_58 : memref<32xi32, #tpu.memory_space<vmem>>) semaphore(%arg8 : memref<!tpu.dma_semaphore, #tpu.memory_space<semaphore_mem>>)
    %dma_start3A_62 = arith.constant 6 : i32
    %dma_start3A_63 = arith.constant 192 : i32
    %dma_start3A_64 = arith.constant 0 : i32
    %dma_start3A_65 = tpu.memref_slice %arg6[%dma_start3A_63, %dma_start3A_64] : memref<256x64xf32, #tpu.memory_space<vmem>> -> memref<32x64xf32, #tpu.memory_space<vmem>>
    %dma_start3A_66 = arith.constant 0 : i32
    %dma_start3A_67 = tpu.memref_slice %arg5[%dma_start3A_62, %dma_start3A_66] : memref<8x32xi32, #tpu.memory_space<vmem>> -> memref<1x32xi32, #tpu.memory_space<vmem>>
    %dma_start3A_68 = tpu.memref_squeeze %dma_start3A_67 : memref<1x32xi32, #tpu.memory_space<vmem>> -> memref<32xi32, #tpu.memory_space<vmem>>
    %dma_start3A_69 = arith.constant 0 : i32
    %dma_start3A_70 = arith.constant 0 : i32
    %dma_start3A_71 = tpu.memref_slice %arg3[%dma_start3A_69, %dma_start3A_70] : memref<100000x64xf32, #tpu.memory_space<hbm>> -> memref<100000x64xf32, #tpu.memory_space<hbm>>
    tpu.enqueue_indirect_dma source(%dma_start3A_71 : memref<100000x64xf32, #tpu.memory_space<hbm>>) target(%dma_start3A_65 : memref<32x64xf32, #tpu.memory_space<vmem>>) offsets(%dma_start3A_68 : memref<32xi32, #tpu.memory_space<vmem>>) semaphore(%arg8 : memref<!tpu.dma_semaphore, #tpu.memory_space<semaphore_mem>>)
    %dma_start3A_72 = arith.constant 7 : i32
    %dma_start3A_73 = arith.constant 224 : i32
    %dma_start3A_74 = arith.constant 0 : i32
    %dma_start3A_75 = tpu.memref_slice %arg6[%dma_start3A_73, %dma_start3A_74] : memref<256x64xf32, #tpu.memory_space<vmem>> -> memref<32x64xf32, #tpu.memory_space<vmem>>
    %dma_start3A_76 = arith.constant 0 : i32
    %dma_start3A_77 = tpu.memref_slice %arg5[%dma_start3A_72, %dma_start3A_76] : memref<8x32xi32, #tpu.memory_space<vmem>> -> memref<1x32xi32, #tpu.memory_space<vmem>>
    %dma_start3A_78 = tpu.memref_squeeze %dma_start3A_77 : memref<1x32xi32, #tpu.memory_space<vmem>> -> memref<32xi32, #tpu.memory_space<vmem>>
    %dma_start3A_79 = arith.constant 0 : i32
    %dma_start3A_80 = arith.constant 0 : i32
    %dma_start3A_81 = tpu.memref_slice %arg3[%dma_start3A_79, %dma_start3A_80] : memref<100000x64xf32, #tpu.memory_space<hbm>> -> memref<100000x64xf32, #tpu.memory_space<hbm>>
    tpu.enqueue_indirect_dma source(%dma_start3A_81 : memref<100000x64xf32, #tpu.memory_space<hbm>>) target(%dma_start3A_75 : memref<32x64xf32, #tpu.memory_space<vmem>>) offsets(%dma_start3A_78 : memref<32xi32, #tpu.memory_space<vmem>>) semaphore(%arg8 : memref<!tpu.dma_semaphore, #tpu.memory_space<semaphore_mem>>)
    %dma_wait3A = arith.constant 0 : i32
    %dma_wait3A_82 = arith.constant 0 : i32
    %dma_wait3A_83 = arith.constant 0 : i32
    %dma_wait3A_84 = tpu.memref_slice %arg6[%dma_wait3A_82, %dma_wait3A_83] : memref<256x64xf32, #tpu.memory_space<vmem>> -> memref<32x64xf32, #tpu.memory_space<vmem>>
    %dma_wait3A_85 = arith.constant 0 : i32
    %dma_wait3A_86 = tpu.memref_slice %arg5[%dma_wait3A, %dma_wait3A_85] : memref<8x32xi32, #tpu.memory_space<vmem>> -> memref<1x32xi32, #tpu.memory_space<vmem>>
    %dma_wait3A_87 = tpu.memref_squeeze %dma_wait3A_86 : memref<1x32xi32, #tpu.memory_space<vmem>> -> memref<32xi32, #tpu.memory_space<vmem>>
    %dma_wait3A_88 = arith.constant 0 : i32
    %dma_wait3A_89 = arith.constant 0 : i32
    %dma_wait3A_90 = tpu.memref_slice %arg3[%dma_wait3A_88, %dma_wait3A_89] : memref<100000x64xf32, #tpu.memory_space<hbm>> -> memref<100000x64xf32, #tpu.memory_space<hbm>>
    tpu.wait_indirect_dma semaphore(%arg8 : memref<!tpu.dma_semaphore, #tpu.memory_space<semaphore_mem>>) src(%dma_wait3A_90 : memref<100000x64xf32, #tpu.memory_space<hbm>>) dst(%dma_wait3A_84 : memref<32x64xf32, #tpu.memory_space<vmem>>)
    %dma_wait3A_91 = arith.constant 1 : i32
    %dma_wait3A_92 = arith.constant 32 : i32
    %dma_wait3A_93 = arith.constant 0 : i32
    %dma_wait3A_94 = tpu.memref_slice %arg6[%dma_wait3A_92, %dma_wait3A_93] : memref<256x64xf32, #tpu.memory_space<vmem>> -> memref<32x64xf32, #tpu.memory_space<vmem>>
    %dma_wait3A_95 = arith.constant 0 : i32
    %dma_wait3A_96 = tpu.memref_slice %arg5[%dma_wait3A_91, %dma_wait3A_95] : memref<8x32xi32, #tpu.memory_space<vmem>> -> memref<1x32xi32, #tpu.memory_space<vmem>>
    %dma_wait3A_97 = tpu.memref_squeeze %dma_wait3A_96 : memref<1x32xi32, #tpu.memory_space<vmem>> -> memref<32xi32, #tpu.memory_space<vmem>>
    %dma_wait3A_98 = arith.constant 0 : i32
    %dma_wait3A_99 = arith.constant 0 : i32
    %dma_wait3A_100 = tpu.memref_slice %arg3[%dma_wait3A_98, %dma_wait3A_99] : memref<100000x64xf32, #tpu.memory_space<hbm>> -> memref<100000x64xf32, #tpu.memory_space<hbm>>
    tpu.wait_indirect_dma semaphore(%arg8 : memref<!tpu.dma_semaphore, #tpu.memory_space<semaphore_mem>>) src(%dma_wait3A_100 : memref<100000x64xf32, #tpu.memory_space<hbm>>) dst(%dma_wait3A_94 : memref<32x64xf32, #tpu.memory_space<vmem>>)
    %dma_wait3A_101 = arith.constant 2 : i32
    %dma_wait3A_102 = arith.constant 64 : i32
    %dma_wait3A_103 = arith.constant 0 : i32
    %dma_wait3A_104 = tpu.memref_slice %arg6[%dma_wait3A_102, %dma_wait3A_103] : memref<256x64xf32, #tpu.memory_space<vmem>> -> memref<32x64xf32, #tpu.memory_space<vmem>>
    %dma_wait3A_105 = arith.constant 0 : i32
    %dma_wait3A_106 = tpu.memref_slice %arg5[%dma_wait3A_101, %dma_wait3A_105] : memref<8x32xi32, #tpu.memory_space<vmem>> -> memref<1x32xi32, #tpu.memory_space<vmem>>
    %dma_wait3A_107 = tpu.memref_squeeze %dma_wait3A_106 : memref<1x32xi32, #tpu.memory_space<vmem>> -> memref<32xi32, #tpu.memory_space<vmem>>
    %dma_wait3A_108 = arith.constant 0 : i32
    %dma_wait3A_109 = arith.constant 0 : i32
    %dma_wait3A_110 = tpu.memref_slice %arg3[%dma_wait3A_108, %dma_wait3A_109] : memref<100000x64xf32, #tpu.memory_space<hbm>> -> memref<100000x64xf32, #tpu.memory_space<hbm>>
    tpu.wait_indirect_dma semaphore(%arg8 : memref<!tpu.dma_semaphore, #tpu.memory_space<semaphore_mem>>) src(%dma_wait3A_110 : memref<100000x64xf32, #tpu.memory_space<hbm>>) dst(%dma_wait3A_104 : memref<32x64xf32, #tpu.memory_space<vmem>>)
    %dma_wait3A_111 = arith.constant 3 : i32
    %dma_wait3A_112 = arith.constant 96 : i32
    %dma_wait3A_113 = arith.constant 0 : i32
    %dma_wait3A_114 = tpu.memref_slice %arg6[%dma_wait3A_112, %dma_wait3A_113] : memref<256x64xf32, #tpu.memory_space<vmem>> -> memref<32x64xf32, #tpu.memory_space<vmem>>
    %dma_wait3A_115 = arith.constant 0 : i32
    %dma_wait3A_116 = tpu.memref_slice %arg5[%dma_wait3A_111, %dma_wait3A_115] : memref<8x32xi32, #tpu.memory_space<vmem>> -> memref<1x32xi32, #tpu.memory_space<vmem>>
    %dma_wait3A_117 = tpu.memref_squeeze %dma_wait3A_116 : memref<1x32xi32, #tpu.memory_space<vmem>> -> memref<32xi32, #tpu.memory_space<vmem>>
    %dma_wait3A_118 = arith.constant 0 : i32
    %dma_wait3A_119 = arith.constant 0 : i32
    %dma_wait3A_120 = tpu.memref_slice %arg3[%dma_wait3A_118, %dma_wait3A_119] : memref<100000x64xf32, #tpu.memory_space<hbm>> -> memref<100000x64xf32, #tpu.memory_space<hbm>>
    tpu.wait_indirect_dma semaphore(%arg8 : memref<!tpu.dma_semaphore, #tpu.memory_space<semaphore_mem>>) src(%dma_wait3A_120 : memref<100000x64xf32, #tpu.memory_space<hbm>>) dst(%dma_wait3A_114 : memref<32x64xf32, #tpu.memory_space<vmem>>)
    %dma_wait3A_121 = arith.constant 4 : i32
    %dma_wait3A_122 = arith.constant 128 : i32
    %dma_wait3A_123 = arith.constant 0 : i32
    %dma_wait3A_124 = tpu.memref_slice %arg6[%dma_wait3A_122, %dma_wait3A_123] : memref<256x64xf32, #tpu.memory_space<vmem>> -> memref<32x64xf32, #tpu.memory_space<vmem>>
    %dma_wait3A_125 = arith.constant 0 : i32
    %dma_wait3A_126 = tpu.memref_slice %arg5[%dma_wait3A_121, %dma_wait3A_125] : memref<8x32xi32, #tpu.memory_space<vmem>> -> memref<1x32xi32, #tpu.memory_space<vmem>>
    %dma_wait3A_127 = tpu.memref_squeeze %dma_wait3A_126 : memref<1x32xi32, #tpu.memory_space<vmem>> -> memref<32xi32, #tpu.memory_space<vmem>>
    %dma_wait3A_128 = arith.constant 0 : i32
    %dma_wait3A_129 = arith.constant 0 : i32
    %dma_wait3A_130 = tpu.memref_slice %arg3[%dma_wait3A_128, %dma_wait3A_129] : memref<100000x64xf32, #tpu.memory_space<hbm>> -> memref<100000x64xf32, #tpu.memory_space<hbm>>
    tpu.wait_indirect_dma semaphore(%arg8 : memref<!tpu.dma_semaphore, #tpu.memory_space<semaphore_mem>>) src(%dma_wait3A_130 : memref<100000x64xf32, #tpu.memory_space<hbm>>) dst(%dma_wait3A_124 : memref<32x64xf32, #tpu.memory_space<vmem>>)
    %dma_wait3A_131 = arith.constant 5 : i32
    %dma_wait3A_132 = arith.constant 160 : i32
    %dma_wait3A_133 = arith.constant 0 : i32
    %dma_wait3A_134 = tpu.memref_slice %arg6[%dma_wait3A_132, %dma_wait3A_133] : memref<256x64xf32, #tpu.memory_space<vmem>> -> memref<32x64xf32, #tpu.memory_space<vmem>>
    %dma_wait3A_135 = arith.constant 0 : i32
    %dma_wait3A_136 = tpu.memref_slice %arg5[%dma_wait3A_131, %dma_wait3A_135] : memref<8x32xi32, #tpu.memory_space<vmem>> -> memref<1x32xi32, #tpu.memory_space<vmem>>
    %dma_wait3A_137 = tpu.memref_squeeze %dma_wait3A_136 : memref<1x32xi32, #tpu.memory_space<vmem>> -> memref<32xi32, #tpu.memory_space<vmem>>
    %dma_wait3A_138 = arith.constant 0 : i32
    %dma_wait3A_139 = arith.constant 0 : i32
    %dma_wait3A_140 = tpu.memref_slice %arg3[%dma_wait3A_138, %dma_wait3A_139] : memref<100000x64xf32, #tpu.memory_space<hbm>> -> memref<100000x64xf32, #tpu.memory_space<hbm>>
    tpu.wait_indirect_dma semaphore(%arg8 : memref<!tpu.dma_semaphore, #tpu.memory_space<semaphore_mem>>) src(%dma_wait3A_140 : memref<100000x64xf32, #tpu.memory_space<hbm>>) dst(%dma_wait3A_134 : memref<32x64xf32, #tpu.memory_space<vmem>>)
    %dma_wait3A_141 = arith.constant 6 : i32
    %dma_wait3A_142 = arith.constant 192 : i32
    %dma_wait3A_143 = arith.constant 0 : i32
    %dma_wait3A_144 = tpu.memref_slice %arg6[%dma_wait3A_142, %dma_wait3A_143] : memref<256x64xf32, #tpu.memory_space<vmem>> -> memref<32x64xf32, #tpu.memory_space<vmem>>
    %dma_wait3A_145 = arith.constant 0 : i32
    %dma_wait3A_146 = tpu.memref_slice %arg5[%dma_wait3A_141, %dma_wait3A_145] : memref<8x32xi32, #tpu.memory_space<vmem>> -> memref<1x32xi32, #tpu.memory_space<vmem>>
    %dma_wait3A_147 = tpu.memref_squeeze %dma_wait3A_146 : memref<1x32xi32, #tpu.memory_space<vmem>> -> memref<32xi32, #tpu.memory_space<vmem>>
    %dma_wait3A_148 = arith.constant 0 : i32
    %dma_wait3A_149 = arith.constant 0 : i32
    %dma_wait3A_150 = tpu.memref_slice %arg3[%dma_wait3A_148, %dma_wait3A_149] : memref<100000x64xf32, #tpu.memory_space<hbm>> -> memref<100000x64xf32, #tpu.memory_space<hbm>>
    tpu.wait_indirect_dma semaphore(%arg8 : memref<!tpu.dma_semaphore, #tpu.memory_space<semaphore_mem>>) src(%dma_wait3A_150 : memref<100000x64xf32, #tpu.memory_space<hbm>>) dst(%dma_wait3A_144 : memref<32x64xf32, #tpu.memory_space<vmem>>)
    %dma_wait3A_151 = arith.constant 7 : i32
    %dma_wait3A_152 = arith.constant 224 : i32
    %dma_wait3A_153 = arith.constant 0 : i32
    %dma_wait3A_154 = tpu.memref_slice %arg6[%dma_wait3A_152, %dma_wait3A_153] : memref<256x64xf32, #tpu.memory_space<vmem>> -> memref<32x64xf32, #tpu.memory_space<vmem>>
    %dma_wait3A_155 = arith.constant 0 : i32
    %dma_wait3A_156 = tpu.memref_slice %arg5[%dma_wait3A_151, %dma_wait3A_155] : memref<8x32xi32, #tpu.memory_space<vmem>> -> memref<1x32xi32, #tpu.memory_space<vmem>>
    %dma_wait3A_157 = tpu.memref_squeeze %dma_wait3A_156 : memref<1x32xi32, #tpu.memory_space<vmem>> -> memref<32xi32, #tpu.memory_space<vmem>>
    %dma_wait3A_158 = arith.constant 0 : i32
    %dma_wait3A_159 = arith.constant 0 : i32
    %dma_wait3A_160 = tpu.memref_slice %arg3[%dma_wait3A_158, %dma_wait3A_159] : memref<100000x64xf32, #tpu.memory_space<hbm>> -> memref<100000x64xf32, #tpu.memory_space<hbm>>
    tpu.wait_indirect_dma semaphore(%arg8 : memref<!tpu.dma_semaphore, #tpu.memory_space<semaphore_mem>>) src(%dma_wait3A_160 : memref<100000x64xf32, #tpu.memory_space<hbm>>) dst(%dma_wait3A_154 : memref<32x64xf32, #tpu.memory_space<vmem>>)
    %broadcast_in_dim3A = arith.constant 0.000000e+00 : f32
    %broadcast_in_dim3A_161 = vector.broadcast %broadcast_in_dim3A : f32 to vector<16xf32>
    %scan3A = arith.constant 0 : i32
    %scan3A_162 = arith.constant 0 : i32
    %scan3A_163 = arith.constant 32 : i32
    %scan3A_164 = arith.addi %scan3A_162, %scan3A_163 : i32
    %scan3A_165 = arith.constant 1 : i32
    scf.for %scan3A_167 = %scan3A_162 to %scan3A_164 step %scan3A_165  : i32 {
      %get3A = arith.index_cast %scan3A_167 : i32 to index
      %get3A_168 = arith.constant 0 : index
      %get3A_169 = tpu.vector_load %arg6[%get3A, %get3A_168] {strides = array<i32>} : memref<256x64xf32, #tpu.memory_space<vmem>>, vector<1x16xf32>,
      %get3A_170 = vector.shape_cast %get3A_169 : vector<1x16xf32> to vector<16xf32>
      %add3A_171 = arith.constant 32 : i32
      %add3A_172 = arith.addi %add3A_171, %scan3A_167 : i32
      %get3A_173 = arith.index_cast %add3A_172 : i32 to index
      %get3A_174 = arith.constant 0 : index
      %get3A_175 = tpu.vector_load %arg6[%get3A_173, %get3A_174] {strides = array<i32>} : memref<256x64xf32, #tpu.memory_space<vmem>>, vector<1x16xf32>,
      %get3A_176 = vector.shape_cast %get3A_175 : vector<1x16xf32> to vector<16xf32>
      %add3A_177 = arith.addf %get3A_170, %get3A_176 : vector<16xf32>
      %add3A_178 = arith.constant 64 : i32
      %add3A_179 = arith.addi %add3A_178, %scan3A_167 : i32
      %get3A_180 = arith.index_cast %add3A_179 : i32 to index
      %get3A_181 = arith.constant 0 : index
      %get3A_182 = tpu.vector_load %arg6[%get3A_180, %get3A_181] {strides = array<i32>} : memref<256x64xf32, #tpu.memory_space<vmem>>, vector<1x16xf32>,
      %get3A_183 = vector.shape_cast %get3A_182 : vector<1x16xf32> to vector<16xf32>
      %add3A_184 = arith.addf %add3A_177, %get3A_183 : vector<16xf32>
      %add3A_185 = arith.constant 96 : i32
      %add3A_186 = arith.addi %add3A_185, %scan3A_167 : i32
      %get3A_187 = arith.index_cast %add3A_186 : i32 to index
      %get3A_188 = arith.constant 0 : index
      %get3A_189 = tpu.vector_load %arg6[%get3A_187, %get3A_188] {strides = array<i32>} : memref<256x64xf32, #tpu.memory_space<vmem>>, vector<1x16xf32>,
      %get3A_190 = vector.shape_cast %get3A_189 : vector<1x16xf32> to vector<16xf32>
      %add3A_191 = arith.addf %add3A_184, %get3A_190 : vector<16xf32>
      %add3A_192 = arith.constant 128 : i32
      %add3A_193 = arith.addi %add3A_192, %scan3A_167 : i32
      %get3A_194 = arith.index_cast %add3A_193 : i32 to index
      %get3A_195 = arith.constant 0 : index
      %get3A_196 = tpu.vector_load %arg6[%get3A_194, %get3A_195] {strides = array<i32>} : memref<256x64xf32, #tpu.memory_space<vmem>>, vector<1x16xf32>,
      %get3A_197 = vector.shape_cast %get3A_196 : vector<1x16xf32> to vector<16xf32>
      %add3A_198 = arith.addf %add3A_191, %get3A_197 : vector<16xf32>
      %add3A_199 = arith.constant 160 : i32
      %add3A_200 = arith.addi %add3A_199, %scan3A_167 : i32
      %get3A_201 = arith.index_cast %add3A_200 : i32 to index
      %get3A_202 = arith.constant 0 : index
      %get3A_203 = tpu.vector_load %arg6[%get3A_201, %get3A_202] {strides = array<i32>} : memref<256x64xf32, #tpu.memory_space<vmem>>, vector<1x16xf32>,
      %get3A_204 = vector.shape_cast %get3A_203 : vector<1x16xf32> to vector<16xf32>
      %add3A_205 = arith.addf %add3A_198, %get3A_204 : vector<16xf32>
      %add3A_206 = arith.constant 192 : i32
      %add3A_207 = arith.addi %add3A_206, %scan3A_167 : i32
      %get3A_208 = arith.index_cast %add3A_207 : i32 to index
      %get3A_209 = arith.constant 0 : index
      %get3A_210 = tpu.vector_load %arg6[%get3A_208, %get3A_209] {strides = array<i32>} : memref<256x64xf32, #tpu.memory_space<vmem>>, vector<1x16xf32>,
      %get3A_211 = vector.shape_cast %get3A_210 : vector<1x16xf32> to vector<16xf32>
      %add3A_212 = arith.addf %add3A_205, %get3A_211 : vector<16xf32>
      %add3A_213 = arith.constant 224 : i32
      %add3A_214 = arith.addi %add3A_213, %scan3A_167 : i32
      %get3A_215 = arith.index_cast %add3A_214 : i32 to index
      %get3A_216 = arith.constant 0 : index
      %get3A_217 = tpu.vector_load %arg6[%get3A_215, %get3A_216] {strides = array<i32>} : memref<256x64xf32, #tpu.memory_space<vmem>>, vector<1x16xf32>,
      %get3A_218 = vector.shape_cast %get3A_217 : vector<1x16xf32> to vector<16xf32>
      %add3A_219 = arith.addf %add3A_212, %get3A_218 : vector<16xf32>
      %swap3A = arith.index_cast %scan3A_167 : i32 to index
      %swap3A_220 = arith.constant 0 : index
      %swap3A_221 = tpu.vector_load %arg7[%swap3A, %swap3A_220] {strides = array<i32>} : memref<32x128xf32, #tpu.memory_space<vmem>>, vector<1x16xf32>,
      %swap3A_222 = vector.shape_cast %swap3A_221 : vector<1x16xf32> to vector<16xf32>
      %swap3A_223 = vector.shape_cast %add3A_219 : vector<16xf32> to vector<1x16xf32>
      tpu.vector_store %arg7[%swap3A, %swap3A_220], %swap3A_223 {strides = array<i32>} : memref<32x128xf32, #tpu.memory_space<vmem>>, vector<1x16xf32>,
      %get3A_224 = arith.index_cast %scan3A_167 : i32 to index
      %get3A_225 = arith.constant 16 : index
      %get3A_226 = tpu.vector_load %arg6[%get3A_224, %get3A_225] {strides = array<i32>} : memref<256x64xf32, #tpu.memory_space<vmem>>, vector<1x16xf32>,
      %get3A_227 = vector.shape_cast %get3A_226 : vector<1x16xf32> to vector<16xf32>
      %add3A_228 = arith.constant 32 : i32
      %add3A_229 = arith.addi %add3A_228, %scan3A_167 : i32
      %get3A_230 = arith.index_cast %add3A_229 : i32 to index
      %get3A_231 = arith.constant 16 : index
      %get3A_232 = tpu.vector_load %arg6[%get3A_230, %get3A_231] {strides = array<i32>} : memref<256x64xf32, #tpu.memory_space<vmem>>, vector<1x16xf32>,
      %get3A_233 = vector.shape_cast %get3A_232 : vector<1x16xf32> to vector<16xf32>
      %add3A_234 = arith.addf %get3A_227, %get3A_233 : vector<16xf32>
      %add3A_235 = arith.constant 64 : i32
      %add3A_236 = arith.addi %add3A_235, %scan3A_167 : i32
      %get3A_237 = arith.index_cast %add3A_236 : i32 to index
      %get3A_238 = arith.constant 16 : index
      %get3A_239 = tpu.vector_load %arg6[%get3A_237, %get3A_238] {strides = array<i32>} : memref<256x64xf32, #tpu.memory_space<vmem>>, vector<1x16xf32>,
      %get3A_240 = vector.shape_cast %get3A_239 : vector<1x16xf32> to vector<16xf32>
      %add3A_241 = arith.addf %add3A_234, %get3A_240 : vector<16xf32>
      %add3A_242 = arith.constant 96 : i32
      %add3A_243 = arith.addi %add3A_242, %scan3A_167 : i32
      %get3A_244 = arith.index_cast %add3A_243 : i32 to index
      %get3A_245 = arith.constant 16 : index
      %get3A_246 = tpu.vector_load %arg6[%get3A_244, %get3A_245] {strides = array<i32>} : memref<256x64xf32, #tpu.memory_space<vmem>>, vector<1x16xf32>,
      %get3A_247 = vector.shape_cast %get3A_246 : vector<1x16xf32> to vector<16xf32>
      %add3A_248 = arith.addf %add3A_241, %get3A_247 : vector<16xf32>
      %add3A_249 = arith.constant 128 : i32
      %add3A_250 = arith.addi %add3A_249, %scan3A_167 : i32
      %get3A_251 = arith.index_cast %add3A_250 : i32 to index
      %get3A_252 = arith.constant 16 : index
      %get3A_253 = tpu.vector_load %arg6[%get3A_251, %get3A_252] {strides = array<i32>} : memref<256x64xf32, #tpu.memory_space<vmem>>, vector<1x16xf32>,
      %get3A_254 = vector.shape_cast %get3A_253 : vector<1x16xf32> to vector<16xf32>
      %add3A_255 = arith.addf %add3A_248, %get3A_254 : vector<16xf32>
      %add3A_256 = arith.constant 160 : i32
      %add3A_257 = arith.addi %add3A_256, %scan3A_167 : i32
      %get3A_258 = arith.index_cast %add3A_257 : i32 to index
      %get3A_259 = arith.constant 16 : index
      %get3A_260 = tpu.vector_load %arg6[%get3A_258, %get3A_259] {strides = array<i32>} : memref<256x64xf32, #tpu.memory_space<vmem>>, vector<1x16xf32>,
      %get3A_261 = vector.shape_cast %get3A_260 : vector<1x16xf32> to vector<16xf32>
      %add3A_262 = arith.addf %add3A_255, %get3A_261 : vector<16xf32>
      %add3A_263 = arith.constant 192 : i32
      %add3A_264 = arith.addi %add3A_263, %scan3A_167 : i32
      %get3A_265 = arith.index_cast %add3A_264 : i32 to index
      %get3A_266 = arith.constant 16 : index
      %get3A_267 = tpu.vector_load %arg6[%get3A_265, %get3A_266] {strides = array<i32>} : memref<256x64xf32, #tpu.memory_space<vmem>>, vector<1x16xf32>,
      %get3A_268 = vector.shape_cast %get3A_267 : vector<1x16xf32> to vector<16xf32>
      %add3A_269 = arith.addf %add3A_262, %get3A_268 : vector<16xf32>
      %add3A_270 = arith.constant 224 : i32
      %add3A_271 = arith.addi %add3A_270, %scan3A_167 : i32
      %get3A_272 = arith.index_cast %add3A_271 : i32 to index
      %get3A_273 = arith.constant 16 : index
      %get3A_274 = tpu.vector_load %arg6[%get3A_272, %get3A_273] {strides = array<i32>} : memref<256x64xf32, #tpu.memory_space<vmem>>, vector<1x16xf32>,
      %get3A_275 = vector.shape_cast %get3A_274 : vector<1x16xf32> to vector<16xf32>
      %add3A_276 = arith.addf %add3A_269, %get3A_275 : vector<16xf32>
      %swap3A_277 = arith.index_cast %scan3A_167 : i32 to index
      %swap3A_278 = arith.constant 16 : index
      %swap3A_279 = tpu.vector_load %arg7[%swap3A_277, %swap3A_278] {strides = array<i32>} : memref<32x128xf32, #tpu.memory_space<vmem>>, vector<1x16xf32>,
      %swap3A_280 = vector.shape_cast %swap3A_279 : vector<1x16xf32> to vector<16xf32>
      %swap3A_281 = vector.shape_cast %add3A_276 : vector<16xf32> to vector<1x16xf32>
      tpu.vector_store %arg7[%swap3A_277, %swap3A_278], %swap3A_281 {strides = array<i32>} : memref<32x128xf32, #tpu.memory_space<vmem>>, vector<1x16xf32>,
      %get3A_282 = arith.index_cast %scan3A_167 : i32 to index
      %get3A_283 = arith.constant 32 : index
      %get3A_284 = tpu.vector_load %arg6[%get3A_282, %get3A_283] {strides = array<i32>} : memref<256x64xf32, #tpu.memory_space<vmem>>, vector<1x16xf32>,
      %get3A_285 = vector.shape_cast %get3A_284 : vector<1x16xf32> to vector<16xf32>
      %add3A_286 = arith.constant 32 : i32
      %add3A_287 = arith.addi %add3A_286, %scan3A_167 : i32
      %get3A_288 = arith.index_cast %add3A_287 : i32 to index
      %get3A_289 = arith.constant 32 : index
      %get3A_290 = tpu.vector_load %arg6[%get3A_288, %get3A_289] {strides = array<i32>} : memref<256x64xf32, #tpu.memory_space<vmem>>, vector<1x16xf32>,
      %get3A_291 = vector.shape_cast %get3A_290 : vector<1x16xf32> to vector<16xf32>
      %add3A_292 = arith.addf %get3A_285, %get3A_291 : vector<16xf32>
      %add3A_293 = arith.constant 64 : i32
      %add3A_294 = arith.addi %add3A_293, %scan3A_167 : i32
      %get3A_295 = arith.index_cast %add3A_294 : i32 to index
      %get3A_296 = arith.constant 32 : index
      %get3A_297 = tpu.vector_load %arg6[%get3A_295, %get3A_296] {strides = array<i32>} : memref<256x64xf32, #tpu.memory_space<vmem>>, vector<1x16xf32>,
      %get3A_298 = vector.shape_cast %get3A_297 : vector<1x16xf32> to vector<16xf32>
      %add3A_299 = arith.addf %add3A_292, %get3A_298 : vector<16xf32>
      %add3A_300 = arith.constant 96 : i32
      %add3A_301 = arith.addi %add3A_300, %scan3A_167 : i32
      %get3A_302 = arith.index_cast %add3A_301 : i32 to index
      %get3A_303 = arith.constant 32 : index
      %get3A_304 = tpu.vector_load %arg6[%get3A_302, %get3A_303] {strides = array<i32>} : memref<256x64xf32, #tpu.memory_space<vmem>>, vector<1x16xf32>,
      %get3A_305 = vector.shape_cast %get3A_304 : vector<1x16xf32> to vector<16xf32>
      %add3A_306 = arith.addf %add3A_299, %get3A_305 : vector<16xf32>
      %add3A_307 = arith.constant 128 : i32
      %add3A_308 = arith.addi %add3A_307, %scan3A_167 : i32
      %get3A_309 = arith.index_cast %add3A_308 : i32 to index
      %get3A_310 = arith.constant 32 : index
      %get3A_311 = tpu.vector_load %arg6[%get3A_309, %get3A_310] {strides = array<i32>} : memref<256x64xf32, #tpu.memory_space<vmem>>, vector<1x16xf32>,
      %get3A_312 = vector.shape_cast %get3A_311 : vector<1x16xf32> to vector<16xf32>
      %add3A_313 = arith.addf %add3A_306, %get3A_312 : vector<16xf32>
      %add3A_314 = arith.constant 160 : i32
      %add3A_315 = arith.addi %add3A_314, %scan3A_167 : i32
      %get3A_316 = arith.index_cast %add3A_315 : i32 to index
      %get3A_317 = arith.constant 32 : index
      %get3A_318 = tpu.vector_load %arg6[%get3A_316, %get3A_317] {strides = array<i32>} : memref<256x64xf32, #tpu.memory_space<vmem>>, vector<1x16xf32>,
      %get3A_319 = vector.shape_cast %get3A_318 : vector<1x16xf32> to vector<16xf32>
      %add3A_320 = arith.addf %add3A_313, %get3A_319 : vector<16xf32>
      %add3A_321 = arith.constant 192 : i32
      %add3A_322 = arith.addi %add3A_321, %scan3A_167 : i32
      %get3A_323 = arith.index_cast %add3A_322 : i32 to index
      %get3A_324 = arith.constant 32 : index
      %get3A_325 = tpu.vector_load %arg6[%get3A_323, %get3A_324] {strides = array<i32>} : memref<256x64xf32, #tpu.memory_space<vmem>>, vector<1x16xf32>,
      %get3A_326 = vector.shape_cast %get3A_325 : vector<1x16xf32> to vector<16xf32>
      %add3A_327 = arith.addf %add3A_320, %get3A_326 : vector<16xf32>
      %add3A_328 = arith.constant 224 : i32
      %add3A_329 = arith.addi %add3A_328, %scan3A_167 : i32
      %get3A_330 = arith.index_cast %add3A_329 : i32 to index
      %get3A_331 = arith.constant 32 : index
      %get3A_332 = tpu.vector_load %arg6[%get3A_330, %get3A_331] {strides = array<i32>} : memref<256x64xf32, #tpu.memory_space<vmem>>, vector<1x16xf32>,
      %get3A_333 = vector.shape_cast %get3A_332 : vector<1x16xf32> to vector<16xf32>
      %add3A_334 = arith.addf %add3A_327, %get3A_333 : vector<16xf32>
      %swap3A_335 = arith.index_cast %scan3A_167 : i32 to index
      %swap3A_336 = arith.constant 32 : index
      %swap3A_337 = tpu.vector_load %arg7[%swap3A_335, %swap3A_336] {strides = array<i32>} : memref<32x128xf32, #tpu.memory_space<vmem>>, vector<1x16xf32>,
      %swap3A_338 = vector.shape_cast %swap3A_337 : vector<1x16xf32> to vector<16xf32>
      %swap3A_339 = vector.shape_cast %add3A_334 : vector<16xf32> to vector<1x16xf32>
      tpu.vector_store %arg7[%swap3A_335, %swap3A_336], %swap3A_339 {strides = array<i32>} : memref<32x128xf32, #tpu.memory_space<vmem>>, vector<1x16xf32>,
      %get3A_340 = arith.index_cast %scan3A_167 : i32 to index
      %get3A_341 = arith.constant 48 : index
      %get3A_342 = tpu.vector_load %arg6[%get3A_340, %get3A_341] {strides = array<i32>} : memref<256x64xf32, #tpu.memory_space<vmem>>, vector<1x16xf32>,
      %get3A_343 = vector.shape_cast %get3A_342 : vector<1x16xf32> to vector<16xf32>
      %add3A_344 = arith.constant 32 : i32
      %add3A_345 = arith.addi %add3A_344, %scan3A_167 : i32
      %get3A_346 = arith.index_cast %add3A_345 : i32 to index
      %get3A_347 = arith.constant 48 : index
      %get3A_348 = tpu.vector_load %arg6[%get3A_346, %get3A_347] {strides = array<i32>} : memref<256x64xf32, #tpu.memory_space<vmem>>, vector<1x16xf32>,
      %get3A_349 = vector.shape_cast %get3A_348 : vector<1x16xf32> to vector<16xf32>
      %add3A_350 = arith.addf %get3A_343, %get3A_349 : vector<16xf32>
      %add3A_351 = arith.constant 64 : i32
      %add3A_352 = arith.addi %add3A_351, %scan3A_167 : i32
      %get3A_353 = arith.index_cast %add3A_352 : i32 to index
      %get3A_354 = arith.constant 48 : index
      %get3A_355 = tpu.vector_load %arg6[%get3A_353, %get3A_354] {strides = array<i32>} : memref<256x64xf32, #tpu.memory_space<vmem>>, vector<1x16xf32>,
      %get3A_356 = vector.shape_cast %get3A_355 : vector<1x16xf32> to vector<16xf32>
      %add3A_357 = arith.addf %add3A_350, %get3A_356 : vector<16xf32>
      %add3A_358 = arith.constant 96 : i32
      %add3A_359 = arith.addi %add3A_358, %scan3A_167 : i32
      %get3A_360 = arith.index_cast %add3A_359 : i32 to index
      %get3A_361 = arith.constant 48 : index
      %get3A_362 = tpu.vector_load %arg6[%get3A_360, %get3A_361] {strides = array<i32>} : memref<256x64xf32, #tpu.memory_space<vmem>>, vector<1x16xf32>,
      %get3A_363 = vector.shape_cast %get3A_362 : vector<1x16xf32> to vector<16xf32>
      %add3A_364 = arith.addf %add3A_357, %get3A_363 : vector<16xf32>
      %add3A_365 = arith.constant 128 : i32
      %add3A_366 = arith.addi %add3A_365, %scan3A_167 : i32
      %get3A_367 = arith.index_cast %add3A_366 : i32 to index
      %get3A_368 = arith.constant 48 : index
      %get3A_369 = tpu.vector_load %arg6[%get3A_367, %get3A_368] {strides = array<i32>} : memref<256x64xf32, #tpu.memory_space<vmem>>, vector<1x16xf32>,
      %get3A_370 = vector.shape_cast %get3A_369 : vector<1x16xf32> to vector<16xf32>
      %add3A_371 = arith.addf %add3A_364, %get3A_370 : vector<16xf32>
      %add3A_372 = arith.constant 160 : i32
      %add3A_373 = arith.addi %add3A_372, %scan3A_167 : i32
      %get3A_374 = arith.index_cast %add3A_373 : i32 to index
      %get3A_375 = arith.constant 48 : index
      %get3A_376 = tpu.vector_load %arg6[%get3A_374, %get3A_375] {strides = array<i32>} : memref<256x64xf32, #tpu.memory_space<vmem>>, vector<1x16xf32>,
      %get3A_377 = vector.shape_cast %get3A_376 : vector<1x16xf32> to vector<16xf32>
      %add3A_378 = arith.addf %add3A_371, %get3A_377 : vector<16xf32>
      %add3A_379 = arith.constant 192 : i32
      %add3A_380 = arith.addi %add3A_379, %scan3A_167 : i32
      %get3A_381 = arith.index_cast %add3A_380 : i32 to index
      %get3A_382 = arith.constant 48 : index
      %get3A_383 = tpu.vector_load %arg6[%get3A_381, %get3A_382] {strides = array<i32>} : memref<256x64xf32, #tpu.memory_space<vmem>>, vector<1x16xf32>,
      %get3A_384 = vector.shape_cast %get3A_383 : vector<1x16xf32> to vector<16xf32>
      %add3A_385 = arith.addf %add3A_378, %get3A_384 : vector<16xf32>
      %add3A_386 = arith.constant 224 : i32
      %add3A_387 = arith.addi %add3A_386, %scan3A_167 : i32
      %get3A_388 = arith.index_cast %add3A_387 : i32 to index
      %get3A_389 = arith.constant 48 : index
      %get3A_390 = tpu.vector_load %arg6[%get3A_388, %get3A_389] {strides = array<i32>} : memref<256x64xf32, #tpu.memory_space<vmem>>, vector<1x16xf32>,
      %get3A_391 = vector.shape_cast %get3A_390 : vector<1x16xf32> to vector<16xf32>
      %add3A_392 = arith.addf %add3A_385, %get3A_391 : vector<16xf32>
      %swap3A_393 = arith.index_cast %scan3A_167 : i32 to index
      %swap3A_394 = arith.constant 48 : index
      %swap3A_395 = tpu.vector_load %arg7[%swap3A_393, %swap3A_394] {strides = array<i32>} : memref<32x128xf32, #tpu.memory_space<vmem>>, vector<1x16xf32>,
      %swap3A_396 = vector.shape_cast %swap3A_395 : vector<1x16xf32> to vector<16xf32>
      %swap3A_397 = vector.shape_cast %add3A_392 : vector<16xf32> to vector<1x16xf32>
      tpu.vector_store %arg7[%swap3A_393, %swap3A_394], %swap3A_397 {strides = array<i32>} : memref<32x128xf32, #tpu.memory_space<vmem>>, vector<1x16xf32>,
      %swap3A_398 = arith.index_cast %scan3A_167 : i32 to index
      %swap3A_399 = arith.constant 64 : index
      %swap3A_400 = tpu.vector_load %arg7[%swap3A_398, %swap3A_399] {strides = array<i32>} : memref<32x128xf32, #tpu.memory_space<vmem>>, vector<1x16xf32>,
      %swap3A_401 = vector.shape_cast %swap3A_400 : vector<1x16xf32> to vector<16xf32>
      %swap3A_402 = vector.shape_cast %broadcast_in_dim3A_161 : vector<16xf32> to vector<1x16xf32>
      tpu.vector_store %arg7[%swap3A_398, %swap3A_399], %swap3A_402 {strides = array<i32>} : memref<32x128xf32, #tpu.memory_space<vmem>>, vector<1x16xf32>,
      %swap3A_403 = arith.index_cast %scan3A_167 : i32 to index
      %swap3A_404 = arith.constant 80 : index
      %swap3A_405 = tpu.vector_load %arg7[%swap3A_403, %swap3A_404] {strides = array<i32>} : memref<32x128xf32, #tpu.memory_space<vmem>>, vector<1x16xf32>,
      %swap3A_406 = vector.shape_cast %swap3A_405 : vector<1x16xf32> to vector<16xf32>
      %swap3A_407 = vector.shape_cast %broadcast_in_dim3A_161 : vector<16xf32> to vector<1x16xf32>
      tpu.vector_store %arg7[%swap3A_403, %swap3A_404], %swap3A_407 {strides = array<i32>} : memref<32x128xf32, #tpu.memory_space<vmem>>, vector<1x16xf32>,
      %swap3A_408 = arith.index_cast %scan3A_167 : i32 to index
      %swap3A_409 = arith.constant 96 : index
      %swap3A_410 = tpu.vector_load %arg7[%swap3A_408, %swap3A_409] {strides = array<i32>} : memref<32x128xf32, #tpu.memory_space<vmem>>, vector<1x16xf32>,
      %swap3A_411 = vector.shape_cast %swap3A_410 : vector<1x16xf32> to vector<16xf32>
      %swap3A_412 = vector.shape_cast %broadcast_in_dim3A_161 : vector<16xf32> to vector<1x16xf32>
      tpu.vector_store %arg7[%swap3A_408, %swap3A_409], %swap3A_412 {strides = array<i32>} : memref<32x128xf32, #tpu.memory_space<vmem>>, vector<1x16xf32>,
      %swap3A_413 = arith.index_cast %scan3A_167 : i32 to index
      %swap3A_414 = arith.constant 112 : index
      %swap3A_415 = tpu.vector_load %arg7[%swap3A_413, %swap3A_414] {strides = array<i32>} : memref<32x128xf32, #tpu.memory_space<vmem>>, vector<1x16xf32>,
      %swap3A_416 = vector.shape_cast %swap3A_415 : vector<1x16xf32> to vector<16xf32>
      %swap3A_417 = vector.shape_cast %broadcast_in_dim3A_161 : vector<16xf32> to vector<1x16xf32>
      tpu.vector_store %arg7[%swap3A_413, %swap3A_414], %swap3A_417 {strides = array<i32>} : memref<32x128xf32, #tpu.memory_space<vmem>>, vector<1x16xf32>,
    }
    %scan3A_166 = arith.constant 32 : i32
    "tpu.region"() ({
      %run_scoped3A = tpu.sem_alloc : memref<!tpu.dma_semaphore, #tpu.memory_space<semaphore_mem>>
      %dma_start3A_167 = arith.constant 0 : i32
      %dma_start3A_168 = tpu.memref_slice %arg4[%mul3A_2, %dma_start3A_167] : memref<1024x128xf32, #tpu.memory_space<hbm>> -> memref<32x128xf32, #tpu.memory_space<hbm>>
      %dma_start3A_169 = arith.constant 0 : i32
      %dma_start3A_170 = tpu.memref_slice %arg4[%mul3A_2, %dma_start3A_169] : memref<1024x128xf32, #tpu.memory_space<hbm>> -> memref<32x128xf32, #tpu.memory_space<hbm>>
      tpu.enqueue_dma source(%arg7 : memref<32x128xf32, #tpu.memory_space<vmem>>) target(%dma_start3A_170 : memref<32x128xf32, #tpu.memory_space<hbm>>) target_semaphore(%run_scoped3A : memref<!tpu.dma_semaphore, #tpu.memory_space<semaphore_mem>>)
      %dma_wait3A_171 = arith.constant 0 : i32
      %dma_wait3A_172 = tpu.memref_slice %arg4[%mul3A_2, %dma_wait3A_171] : memref<1024x128xf32, #tpu.memory_space<hbm>> -> memref<32x128xf32, #tpu.memory_space<hbm>>
      %dma_wait3A_173 = arith.constant 0 : i32
      %dma_wait3A_174 = tpu.memref_slice %arg4[%mul3A_2, %dma_wait3A_173] : memref<1024x128xf32, #tpu.memory_space<hbm>> -> memref<32x128xf32, #tpu.memory_space<hbm>>
      tpu.wait_dma2 semaphore(%run_scoped3A : memref<!tpu.dma_semaphore, #tpu.memory_space<semaphore_mem>>) src(%arg7 : memref<32x128xf32, #tpu.memory_space<vmem>>) dst(%dma_wait3A_174 : memref<32x128xf32, #tpu.memory_space<hbm>>)
      tpu.yield
    }) : () -> ()
    return
  }
}

</mosaic_0001>

<sc_bundles>
// kernel: _sc_gather_sum.3.cloned.1.call-start
scs
__scs_entry_jumppad:
0x0: {  	(pc) =	sbr.rel $0x88, $3  }
0x1: {  	(tag) =	ssettag $0x0;
	lr =	simm.s32 $0x1  }
0x2: {  	[smem:$0x3F9F] =	sst lr;
	_ =	strace $0xD0000000  }
0x3: {  	_ = 	snop  }
0x4: {  	_ = 	snop  }
0x5: {  	_ = 	snop  }
0x6: {  	_ = 	snop  }
0x7: {  	_ = 	snop  }
__scs_overlays_trampoline_lowered:
0x8: {  	[smem:$0x3FAE] =	sst s0  }
0x9: {  	[smem:$0x3FAF] =	sst s1  }
0xa: {  	[smem:$0x3FB0] =	sst s2  }
0xb: {  	[smem:$0x3FB1] =	sst s3  }
0xc: {  	[smem:$0x3FB2] =	sst s4  }
0xd: {  	[smem:$0x3FB3] =	sst s5  }
0xe: {  	[smem:$0x3FB4] =	sst s6  }
0xf: {  	[smem:$0x3FB5] =	sst s7  }
0x10: {  	[smem:$0x3FB6] =	sst s8  }
0x11: {  	[smem:$0x3FB7] =	sst s9;
	s0 =	simm.s32 @!p0 $0x0  }
0x12: {  	s1 =	sld [smem:$0x3F9D];
	s0 =	simm.s32 @p0 $0x1  }
0x13: {  	[smem:$0x3FB8] =	sst s0;
	s0 =	simm.s32 @!p1 $0x0  }
0x14: {  	s2 =	sld [smem:$0x3F9C];
	s0 =	simm.s32 @p1 $0x1  }
0x15: {  	[smem:$0x3FB9] =	sst s0;
	s0 =	simm.s32 @!p2 $0x0  }
0x16: {  	s3 =	sld [smem:$0x3FDB];
	s0 =	simm.s32 @p2 $0x1  }
0x17: {  	s4 =	simm.s32 $0x1BF5;
	[smem:$0x3FBB] =	sst s0  }
0x18: {  	s0 =	sld [smem:$0x3F9E];
	_ =	swait.ge [sflag:s4], $0x0  }
0x19: {  	s7 =	sld [smem:$0x3F9F]  }
0x1a: {  	s8 =	sadd.s32 $0xFFFFE003, lr  }
0x1b: {  	s9 =	sadd.s32 $0xFFFFFEF7, lr;
	s5 =	simm.s32 $0xFFFFFFFF;
	p2 =	slt.u32 s8, $0xFFFFF086  }
0x1c: {  	p1 =	slt.u32 s9, $0xF7A;
	s5 =	simm.s32 @!p2 $0x0  }
0x1d: {  	s5 =	simm.s32 @p1 $0x1;
	p0 =	seq.s32 s7, s2  }
0x1e: {  	s7 =	smul.u32 @!p0 $0xF7A, s2;
	p2 =	seq.s32 @!p0 s5, $0x0  }
0x1f: {  	s9 =	smul.u32 $0xF7A, s1;
	s8 =	simm.s32 @!p0 $0x1BF5;
	p2 =	por !p2, p0  }
0x20: {  	[sflag:s8] =	ssyncset.s32 @!p0 $0xFFFFF086;
	s6 =	sadd.s32 @!p0 s3, s7;
	s7 =	simm.s32 @!p0 $0x108  }
0x21: {  	s3 =	sadd.s32 s3, s9;
	s6 =	sadd.s32 @!p0 $0x88, s6;
	s7 =	simm.s32 @p2 $0x1082  }
0x22: {  	[simem:s7], [sflag:s8] =	dma.local @!p0 [hbm:s6], $0xF7A  }
0x23: {  	s9 =	sor.u32 $0xD0000000, s2;
	s6 =	simm.s32 $0x108;
	_ =	swait.ge @!p0 [sflag:s8], $0x0  }
0x24: {  	s3 =	sadd.s32 $0x88, s3;
	s6 =	simm.s32 @!p1 $0x1082;
	[sflag:s4] =	ssyncset.s32 $0xFFFFF086  }
0x25: {  	[simem:s6], [sflag:s4] =	dma.local [hbm:s3], $0xF7A  }
0x26: {  	[smem:$0x3F9F] =	sst s1;
	(tag) =	ssettag s2;
	_ =	strace s9  }
0x27: {  	s1 =	sld [smem:$0x3FAF]  }
0x28: {  	s2 =	sld [smem:$0x3FB0]  }
0x29: {  	s4 =	sld [smem:$0x3FB2]  }
0x2a: {  	p0 =	seq.s32 s5, $0x0;
	s5 =	sld [smem:$0x3FB3]  }
0x2b: {  	s6 =	sld [smem:$0x3FB4]  }
0x2c: {  	s7 =	sld [smem:$0x3FB5]  }
0x2d: {  	s3 =	simm.s32 $0x108;
	s8 =	sld [smem:$0x3FB6]  }
0x2e: {  	s3 =	simm.s32 @!p0 $0x1082;
	s9 =	sld [smem:$0x3FB7]  }
0x2f: {  	lr =	sadd.s32 s0, s3;
	s0 =	sld [smem:$0x3FAE]  }
0x30: {  	s3 =	sld [smem:$0x3FB1]  }
0x31: {  	[smem:$0x3FBA] =	sst s10  }
0x32: {  	s10 =	sld [smem:$0x3FB8];
	_ =	sdelay $0x3  }
0x33: {  	p0 =	seq.s32 s10, $0x1;
	s10 =	sld [smem:$0x3FBA];
	_ =	sdelay $0x3  }
0x34: {  	[smem:$0x3FBA] =	sst s10  }
0x35: {  	s10 =	sld [smem:$0x3FB9];
	_ =	sdelay $0x3  }
0x36: {  	p1 =	seq.s32 s10, $0x1;
	s10 =	sld [smem:$0x3FBA];
	_ =	sdelay $0x3  }
0x37: {  	[smem:$0x3FBA] =	sst s10  }
0x38: {  	s10 =	sld [smem:$0x3FBB]  }
0x39: {  	_ = 	snop;
	(pc) =	sbr.ind lr, $3  }
0x3a: {  	_ = 	snop  }
0x3b: {  	_ = 	snop  }
0x3c: {  	p2 =	seq.s32 s10, $0x1;
	s10 =	sld [smem:$0x3FBA]  }
0x3d: {  	_ =	shalt  }
0x3e: {  	_ =	shalt  }
0x3f: {  	_ =	shalt  }
0x40: {  	_ =	shalt  }
0x41: {  	_ =	shalt  }
0x42: {  	_ =	shalt  }
0x43: {  	_ =	shalt  }
0x44: {  	_ =	shalt  }
0x45: {  	_ =	shalt  }
0x46: {  	_ =	shalt  }
0x47: {  	_ =	shalt  }
0x48: {  	_ =	shalt  }
0x49: {  	_ =	shalt  }
0x4a: {  	_ =	shalt  }
0x4b: {  	_ =	shalt  }
0x4c: {  	_ =	shalt  }
0x4d: {  	_ =	shalt  }
0x4e: {  	_ =	shalt  }
0x4f: {  	_ =	shalt  }
0x50: {  	_ =	shalt  }
0x51: {  	_ =	shalt  }
0x52: {  	_ =	shalt  }
0x53: {  	_ =	shalt  }
0x54: {  	_ =	shalt  }
0x55: {  	_ =	shalt  }
0x56: {  	_ =	shalt  }
0x57: {  	_ =	shalt  }
0x58: {  	_ =	shalt  }
0x59: {  	_ =	shalt  }
0x5a: {  	_ =	shalt  }
0x5b: {  	_ =	shalt  }
0x5c: {  	_ =	shalt  }
0x5d: {  	_ =	shalt  }
0x5e: {  	_ =	shalt  }
0x5f: {  	_ =	shalt  }
0x60: {  	_ =	shalt  }
0x61: {  	_ =	shalt  }
0x62: {  	_ =	shalt  }
0x63: {  	_ =	shalt  }
0x64: {  	_ =	shalt  }
0x65: {  	_ =	shalt  }
0x66: {  	_ =	shalt  }
0x67: {  	_ =	shalt  }
0x68: {  	_ =	shalt  }
0x69: {  	_ =	shalt  }
0x6a: {  	_ =	shalt  }
0x6b: {  	_ =	shalt  }
0x6c: {  	_ =	shalt  }
0x6d: {  	_ =	shalt  }
0x6e: {  	_ =	shalt  }
0x6f: {  	_ =	shalt  }
0x70: {  	_ =	shalt  }
0x71: {  	_ =	shalt  }
0x72: {  	_ =	shalt  }
0x73: {  	_ =	shalt  }
0x74: {  	_ =	shalt  }
0x75: {  	_ =	shalt  }
0x76: {  	_ =	shalt  }
0x77: {  	_ =	shalt  }
0x78: {  	_ =	shalt  }
0x79: {  	_ =	shalt  }
0x7a: {  	_ =	shalt  }
0x7b: {  	_ =	shalt  }
0x7c: {  	_ =	shalt  }
0x7d: {  	_ =	shalt  }
0x7e: {  	_ =	shalt  }
0x7f: {  	_ =	shalt  }
0x80: {  	_ =	shalt  }
0x81: {  	_ =	shalt  }
0x82: {  	_ =	shalt  }
0x83: {  	_ =	shalt  }
0x84: {  	_ =	shalt  }
0x85: {  	_ =	shalt  }
0x86: {  	_ =	shalt  }
0x87: {  	_ =	shalt  }
.Lfunc_end0:
.L_simem_size_0:
called_computation_lowered:
.L_overlay_start_0:
0x88: {  	s2 =	sld [smem:$0x3FD9]  }
0x89: {  	s3 =	sld [smem:$0x3FFE];
	_ =	sdelay $0x1  }
0x8a: {  	s1 =	srdreg.scid  }
0x8b: {  	s0 =	sand.u32 $0x1, s1  }
0x8c: {  	s17 =	sshll.u32 s0, $0xA;
	s2 =	sadd.s32 s3, s2  }
0x8d: {  	s2 =	sadd.s32 s2, s17  }
0x8e: {  	[smem:$0x3FC6] =	sst s2  }
0x8f: {  	_ = 	snop  }
0x90: {  	s2 =	sld [smem:$0x3FD0];
	(tm) =	ssettm $0x1  }
0x91: {  	s18 =	sld [smem:$0x3FFB];
	_ =	sdelay $0x3  }
0x92: {  	_ =	strace s18  }
0x93: {  	s3 =	sld [smem:$0x3FFC];
	_ =	sdelay $0x3  }
0x94: {  	_ =	strace s3  }
0x95: {  	s3 =	sld [smem:$0x3FFD];
	_ =	sdelay $0x3  }
0x96: {  	_ =	strace s3  }
0x97: {  	_ =	strace $0x8FFFFFFF  }
0x98: {  	s19 =	sld [smem:$0x3FDB];
	_ =	sdelay $0x1  }
0x99: {  	s4 =	simm.s32 $_scs_section_size  }
0x9a: {  	s5 =	simm.s32 $_size__tile_overlayer_lowered;
	s6 =	simm.s32 $_tile_overlayer_lowered  }
0x9b: {  	s22 =	simm.s32 $0x1BFF;
	s21 =	sshll.u32 s6, $0x1;
	s3 =	sadd.s32 s4, s19  }
0x9c: {  	s7 =	simm.s32 $0x0;
	s20 =	sshll.u32 s5, $0x1;
	s5 =	sadd.s32 s21, s3  }
0x9d: {  	[timem:s7], [sflag:s22] =	dma.local [hbm:s5], s20  }
0x9e: {  	_ =	swait.ge [sflag:s22], s20  }
0x9f: {  	s4 =	ssub.s32 $0x0, s20;
	[sflag:s22] =	ssyncset.done $0x0  }
0xa0: {  	[sflag:s22] =	ssyncadd.s32 s4;
	_ =	sdelay $0x1  }
0xa1: {  	s23 =	simm.s32 $0x1B8B  }
0xa2: {  	_ =	swait.ge [sflag:s23], $0x1  }
0xa3: {  	[sflag:s23] =	ssyncset.done $0x0  }
0xa4: {  	s25 =	simm.s32 $0x1B8E;
	s24 =	sld [smem:$0x3FFE];
	[sflag:s23] =	ssyncadd.s32 $0xFFFFFFFF  }
0xa5: {  	s26 =	simm.s32 $execute0_lowered;
	[smem:$0x3FD2] =	sst s25  }
0xa6: {  	s5 =	sshll.u32 s26, $0x1;
	_ =	strace $0x80000046;
	[dreg:$0x1] =	wrdreg $0xFFFFFFFF  }
0xa7: {  	s28 =	simm.s32 $_size_execute0_lowered;
	s3 =	sadd.s32 s3, s5;
	[dreg:$0x0] =	wrdreg $0x0  }
0xa8: {  	s5 =	sshll.u32 s28, $0x1;
	[dreg:$0x2] =	wrdreg s3  }
0xa9: {  	[dreg:$0x3] =	wrdreg s5  }
0xaa: {  	[dreg:$0x4] =	wrdreg $0xC0  }
0xab: {  	_ =	task [dreg:s7], $0x5FFFF  }
0xac: {  	[dreg:$0x1] =	wrdreg $0xFFFFFFFF  }
0xad: {  	[dreg:$0x0] =	wrdreg $0x60  }
0xae: {  	[dreg:$0x2] =	wrdreg s24  }
0xaf: {  	[dreg:$0x3] =	wrdreg s2  }
0xb0: {  	[dreg:$0x4] =	wrdreg $0x9  }
0xb1: {  	_ =	task.clear_ibuf [dreg:s7], $0x5FFFF;
	_ =	strace $0x90000046  }
0xb2: {  	s29 =	simm.s32 $0x9;
	_ =	strace $0x80000048  }
0xb3: {  	_ =	swait.ge [sflag:s29], $0x1  }
0xb4: {  	[sflag:s29] =	ssyncadd.s32 $0xFFFFFFFF  }
0xb5: {  	_ =	strace $0x90000048  }
0xb6: {  	_ =	sfence  }
0xb7: {  	s30 =	sld [smem:$0x0];
	_ =	sdelay $0x2  }
0xb8: {  	s31 =	sshll.u32 s1, $0xD;
	s1 =	sshrl.u32 s1, $0x2  }
0xb9: {  	s3 =	sand.u32 $0x4000, s31;
	s1 =	sadd.s32 s1, s30  }
0xba: {  	s0 =	sor.u32 s3, s0;
	s1 =	sshll.u32 s1, $0x11  }
0xbb: {  	s0 =	sor.u32 s1, s0  }
0xbc: {  	s0 =	sadd.s32 $0x8F2B, s0  }
0xbd: {  	[sflag:s0] =	ssyncadd.remote.s32 $0x1  }
0xbe: {  	_ =	sfence.sel $0xFFFF  }
0xbf: {  	[dreg:$0x0] =	wrdreg $0xFFFFFFFF;
	(pc) =	sbr.abs _section_cstart, $3  }
0xc0: {  	[dreg:$0x1] =	wrdreg $0xFFFFFFFF  }
0xc1: {  	_ =	task.clear_ibuf [dreg:s7], $0x2FFFF;
	_ =	strace $0x9FFFFFFF  }
0xc2: {  	(tm) =	ssettm $0x7FFFFFFF  }
0xc3: {  	_ =	shalt  }
tec
execute0_lowered:
.L_overlay_start_1:
0x0: {  	(tag) =	ssettag $0x1  }
0x1: {  	s3 =	rddreg [dreg:$0x0]  }
0x2: {  	s5 =	rddreg [dreg:$0x1];
	s2 =	srdreg.scid  }
0x3: {  	s0 =	rddreg [dreg:$0x2];
	s1 =	stileid.u32  }
0x4: {  	s9 =	simm.s32 $0x2;
	s10 =	simm.s32 $0x100;
	s11 =	simm.s32 $0x900  }
0x5: {  	s12 =	simm.s32 $0x40;
	s13 =	simm.s32 $0x1100;
	s14 =	simm.s32 $0x60  }
0x6: {  	s15 =	simm.s32 $0x1900;
	s16 =	simm.s32 $0x80;
	s17 =	simm.s32 $0xA0  }
0x7: {  	s18 =	simm.s32 $0x2900;
	s19 =	simm.s32 $0xC0;
	s20 =	simm.s32 $0x3100  }
0x8: {  	s21 =	simm.s32 $0xE0;
	s22 =	simm.s32 $0x3900;
	s23 =	simm.s32 $0x1  }
0x9: {  	s24 =	simm.s32 $0x4100;
	s25 =	simm.s32 $0x0;
	s4 =	sand.u32 $0x1, s2  }
0xa: {  	s2 =	simm.s32 $0x0;
	s6 =	sshll.u32 s1, $0x6;
	s7 =	sshll.u32 s4, $0x5  }
0xb: {  	[smem:$0x7FF] =	sst s2;
	s4 =	ssub.s32 $0x2, s4;
	s6 =	sor.u32 s7, s6  }
0xc: {  	_ =	strace $0x80000047;
	s8 =	sshrl.u32 s4, $0x1;
	s7 =	sshrl.u32 s6, $0x3  }
0xd: {  	s8 =	ssub.s32 s4, s8;
	s6 =	sshll.u32 s6, $0x4;
	s7 =	sadd.s32 s7, s3  }
0xe: {  	s3 =	sadd.s32 $0x187000, s3;
	s5 =	sadd.s32 s5, s6;
	s6 =	smax.u32 s8, $0x1  }
0xf: {  	v0 =	vimm.f32 $0.0e+00;
	s8 =	simm.s32 $0x400;
	s4 =	sadd.s32 $0x600, s7;
	s7 =	simm.s32 $0x20  }
.LBB2_1:
0x10: {  	[tilespmem:s2], [sflag:$0x2] =	stream.strided.gather [hbm4b:s4+s7], $0x100, s8, s7, $0x38;
	[tilespmem:$0x5100] =	vst v63  }
0x11: {  	_ =	swait.ge [sflag:s9], $0x100  }
0x12: {  	[sflag:s9] =	ssyncset.done $0x0  }
0x13: {  	[sflag:s9] =	ssyncadd.s32 $0xFFFFFF00  }
0x14: {  	[tilespmem:s10], [sflag:$0x1] =	stream.indirect.gather [hbm4b:s3+s7], $0x40, s2, s7, $0xb8;
	[tilespmem:$0x5100] =	vst v63  }
0x15: {  	_ = 	snop  }
0x16: {  	[tilespmem:s11], [sflag:$0x1] =	stream.indirect.gather [hbm4b:s3+s7], $0x40, s7, s7, $0xb8;
	[tilespmem:$0x5100] =	vst v63  }
0x17: {  	_ = 	snop  }
0x18: {  	[tilespmem:s13], [sflag:$0x1] =	stream.indirect.gather [hbm4b:s3+s7], $0x40, s12, s7, $0xb8;
	[tilespmem:$0x5100] =	vst v63  }
0x19: {  	_ = 	snop  }
0x1a: {  	[tilespmem:s15], [sflag:$0x1] =	stream.indirect.gather [hbm4b:s3+s7], $0x40, s14, s7, $0xb8;
	[tilespmem:$0x5100] =	vst v63  }
0x1b: {  	s26 =	simm.s32 $0x2100  }
0x1c: {  	[tilespmem:s26], [sflag:$0x1] =	stream.indirect.gather [hbm4b:s3+s7], $0x40, s16, s7, $0xb8;
	[tilespmem:$0x5100] =	vst v63  }
0x1d: {  	_ = 	snop  }
0x1e: {  	[tilespmem:s18], [sflag:$0x1] =	stream.indirect.gather [hbm4b:s3+s7], $0x40, s17, s7, $0xb8;
	[tilespmem:$0x5100] =	vst v63  }
0x1f: {  	_ = 	snop  }
0x20: {  	[tilespmem:s20], [sflag:$0x1] =	stream.indirect.gather [hbm4b:s3+s7], $0x40, s19, s7, $0xb8;
	[tilespmem:$0x5100] =	vst v63  }
0x21: {  	_ = 	snop  }
0x22: {  	[tilespmem:s22], [sflag:$0x1] =	stream.indirect.gather [hbm4b:s3+s7], $0x40, s21, s7, $0xb8;
	[tilespmem:$0x5100] =	vst v63  }
0x23: {  	_ =	swait.ge [sflag:s23], $0x800  }
0x24: {  	[sflag:s23] =	ssyncset.done $0x0  }
0x25: {  	[sflag:s23] =	ssyncadd.s32 $0xFFFFF800  }
0x26: {  	_ =	swait.ge [sflag:s23], $0x800  }
0x27: {  	[sflag:s23] =	ssyncset.done $0x0  }
0x28: {  	[sflag:s23] =	ssyncadd.s32 $0xFFFFF800  }
0x29: {  	_ =	swait.ge [sflag:s23], $0x800  }
0x2a: {  	[sflag:s23] =	ssyncset.done $0x0  }
0x2b: {  	[sflag:s23] =	ssyncadd.s32 $0xFFFFF800  }
0x2c: {  	_ =	swait.ge [sflag:s23], $0x800  }
0x2d: {  	[sflag:s23] =	ssyncset.done $0x0  }
0x2e: {  	[sflag:s23] =	ssyncadd.s32 $0xFFFFF800  }
0x2f: {  	_ =	swait.ge [sflag:s23], $0x800  }
0x30: {  	[sflag:s23] =	ssyncset.done $0x0  }
0x31: {  	[sflag:s23] =	ssyncadd.s32 $0xFFFFF800  }
0x32: {  	_ =	swait.ge [sflag:s23], $0x800  }
0x33: {  	[sflag:s23] =	ssyncset.done $0x0  }
0x34: {  	[sflag:s23] =	ssyncadd.s32 $0xFFFFF800  }
0x35: {  	_ =	swait.ge [sflag:s23], $0x800  }
0x36: {  	[sflag:s23] =	ssyncset.done $0x0  }
0x37: {  	[sflag:s23] =	ssyncadd.s32 $0xFFFFF800  }
0x38: {  	_ =	swait.ge [sflag:s23], $0x800  }
0x39: {  	[sflag:s23] =	ssyncset.done $0x0  }
0x3a: {  	[sflag:s23] =	ssyncadd.s32 $0xFFFFF800  }
0x3b: {  	v1 =	vld [tilespmem:s26+$0xFFFFE800]  }
0x3c: {  	v2 =	vld [tilespmem:s26+$0xFFFFE000];
	_ =	sdelay $0x1  }
0x3d: {  	v3 =	vld [tilespmem:s26+$0xFFFFF000];
	_ =	sdelay $0x1  }
0x3e: {  	v4 =	vld [tilespmem:s26+$0xFFFFF800]  }
0x3f: {  	v1 =	vadd.f32 v1, v2  }
0x40: {  	v2 =	vld [tilespmem:s26+$0x0]  }
0x41: {  	v1 =	vadd.f32 v3, v1  }
0x42: {  	v3 =	vld [tilespmem:s26+$0x800]  }
0x43: {  	v1 =	vadd.f32 v4, v1  }
0x44: {  	v4 =	vld [tilespmem:s26+$0x1000]  }
0x45: {  	v1 =	vadd.f32 v2, v1  }
0x46: {  	v2 =	vld [tilespmem:s26+$0x1800]  }
0x47: {  	v1 =	vadd.f32 v3, v1;
	_ =	sdelay $0x1  }
0x48: {  	v1 =	vadd.f32 v4, v1;
	_ =	sdelay $0x1  }
0x49: {  	v1 =	vadd.f32 v2, v1  }
0x4a: {  	s28 =	simm.s32 $0x0  }
0x4b: {  	[tilespmem:s28+$0x4100] =	vst v1  }
0x4c: {  	v1 =	vld [tilespmem:s26+$0xFFFFE010]  }
0x4d: {  	v2 =	vld [tilespmem:s26+$0xFFFFE810];
	_ =	sdelay $0x1  }
0x4e: {  	v3 =	vld [tilespmem:s26+$0xFFFFF010];
	_ =	sdelay $0x1  }
0x4f: {  	v4 =	vld [tilespmem:s26+$0xFFFFF810]  }
0x50: {  	v1 =	vadd.f32 v2, v1  }
0x51: {  	v2 =	vld [tilespmem:s26+$0x10]  }
0x52: {  	v1 =	vadd.f32 v3, v1  }
0x53: {  	v3 =	vld [tilespmem:s26+$0x810]  }
0x54: {  	v1 =	vadd.f32 v4, v1  }
0x55: {  	v4 =	vld [tilespmem:s26+$0x1010]  }
0x56: {  	v1 =	vadd.f32 v2, v1  }
0x57: {  	v2 =	vld [tilespmem:s26+$0x1810]  }
0x58: {  	v1 =	vadd.f32 v3, v1;
	_ =	sdelay $0x1  }
0x59: {  	v1 =	vadd.f32 v4, v1;
	_ =	sdelay $0x1  }
0x5a: {  	v1 =	vadd.f32 v2, v1;
	_ =	sdelay $0x1  }
0x5b: {  	[tilespmem:s28+$0x4110] =	vst v1  }
0x5c: {  	v1 =	vld [tilespmem:s26+$0xFFFFE020]  }
0x5d: {  	v2 =	vld [tilespmem:s26+$0xFFFFE820];
	_ =	sdelay $0x1  }
0x5e: {  	v3 =	vld [tilespmem:s26+$0xFFFFF020];
	_ =	sdelay $0x1  }
0x5f: {  	v4 =	vld [tilespmem:s26+$0xFFFFF820]  }
0x60: {  	v1 =	vadd.f32 v2, v1  }
0x61: {  	v2 =	vld [tilespmem:s26+$0x20]  }
0x62: {  	v1 =	vadd.f32 v3, v1  }
0x63: {  	v3 =	vld [tilespmem:s26+$0x820]  }
0x64: {  	v1 =	vadd.f32 v4, v1  }
0x65: {  	v4 =	vld [tilespmem:s26+$0x1020]  }
0x66: {  	v1 =	vadd.f32 v2, v1  }
0x67: {  	v2 =	vld [tilespmem:s26+$0x1820]  }
0x68: {  	v1 =	vadd.f32 v3, v1;
	_ =	sdelay $0x1  }
0x69: {  	v1 =	vadd.f32 v4, v1;
	_ =	sdelay $0x1  }
0x6a: {  	v1 =	vadd.f32 v2, v1;
	_ =	sdelay $0x1  }
0x6b: {  	[tilespmem:s28+$0x4120] =	vst v1  }
0x6c: {  	v1 =	vld [tilespmem:s26+$0xFFFFE030]  }
0x6d: {  	v2 =	vld [tilespmem:s26+$0xFFFFE830];
	_ =	sdelay $0x1  }
0x6e: {  	v4 =	vld [tilespmem:s26+$0xFFFFF030];
	_ =	sdelay $0x1  }
0x6f: {  	v5 =	vld [tilespmem:s26+$0xFFFFF830]  }
0x70: {  	v6 =	vld [tilespmem:s26+$0x30];
	v7 =	vadd.f32 v2, v1  }
0x71: {  	v3 =	vld [tilespmem:s26+$0x830]  }
0x72: {  	v2 =	vld [tilespmem:s26+$0x1030];
	v4 =	vadd.f32 v4, v7  }
0x73: {  	v1 =	vld [tilespmem:s26+$0x1830];
	[tilespmem:s28+$0x4140] =	vst v0  }
0x74: {  	[tilespmem:s28+$0x4150] =	vst v0;
	v4 =	vadd.f32 v5, v4  }
0x75: {  	[tilespmem:s28+$0x4160] =	vst v0  }
0x76: {  	s29 =	simm.s32 $0x200;
	[tilespmem:s28+$0x4170] =	vst v0;
	v4 =	vadd.f32 v6, v4  }
.LBB2_2:
0x77: {  	p0 =	sne.s32 s29, $0x3E00  }
0x78: {  	s26 =	sadd.s32 $0x40, s26;
	s30 =	smov.u32 s29;
	s29 =	sadd.s32 $0x200, s29;
	v3 =	vadd.f32 v3, v4  }
0x79: {  	_ = 	snop  }
0x7a: {  	v2 =	vadd.f32 v2, v3;
	_ =	sdelay $0x1  }
0x7b: {  	v1 =	vadd.f32 v1, v2;
	_ =	sdelay $0x1  }
0x7c: {  	[tilespmem:s28+$0x4130] =	vst v1  }
0x7d: {  	v1 =	vld [tilespmem:s26+$0xFFFFE800]  }
0x7e: {  	v2 =	vld [tilespmem:s26+$0xFFFFE000]  }
0x7f: {  	v3 =	vld [tilespmem:s26+$0xFFFFF000]  }
0x80: {  	v4 =	vld [tilespmem:s26+$0xFFFFF800];
	_ =	sdelay $0x1  }
0x81: {  	v5 =	vld [tilespmem:s26+$0x0]  }
0x82: {  	v1 =	vadd.f32 v1, v2  }
0x83: {  	v2 =	vld [tilespmem:s26+$0x800]  }
0x84: {  	v1 =	vadd.f32 v3, v1;
	_ =	sdelay $0x1  }
0x85: {  	v1 =	vadd.f32 v4, v1;
	v3 =	vld [tilespmem:s26+$0x1000];
	_ =	sdelay $0x1  }
0x86: {  	v1 =	vadd.f32 v5, v1  }
0x87: {  	v4 =	vld [tilespmem:s26+$0x1800]  }
0x88: {  	v1 =	vadd.f32 v2, v1;
	_ =	sdelay $0x1  }
0x89: {  	v1 =	vadd.f32 v3, v1;
	_ =	sdelay $0x1  }
0x8a: {  	v1 =	vadd.f32 v4, v1  }
0x8b: {  	s28 =	sshra.s32 s30, $0x2  }
0x8c: {  	[tilespmem:s28+$0x4100] =	vst v1  }
0x8d: {  	v1 =	vld [tilespmem:s26+$0xFFFFE010]  }
0x8e: {  	v2 =	vld [tilespmem:s26+$0xFFFFE810];
	_ =	sdelay $0x1  }
0x8f: {  	v3 =	vld [tilespmem:s26+$0xFFFFF010];
	_ =	sdelay $0x1  }
0x90: {  	v4 =	vld [tilespmem:s26+$0xFFFFF810]  }
0x91: {  	v1 =	vadd.f32 v2, v1  }
0x92: {  	v2 =	vld [tilespmem:s26+$0x10]  }
0x93: {  	v1 =	vadd.f32 v3, v1  }
0x94: {  	v3 =	vld [tilespmem:s26+$0x810]  }
0x95: {  	v1 =	vadd.f32 v4, v1  }
0x96: {  	v4 =	vld [tilespmem:s26+$0x1010]  }
0x97: {  	v1 =	vadd.f32 v2, v1  }
0x98: {  	v2 =	vld [tilespmem:s26+$0x1810]  }
0x99: {  	v1 =	vadd.f32 v3, v1;
	_ =	sdelay $0x1  }
0x9a: {  	v1 =	vadd.f32 v4, v1;
	_ =	sdelay $0x1  }
0x9b: {  	v1 =	vadd.f32 v2, v1;
	_ =	sdelay $0x1  }
0x9c: {  	[tilespmem:s28+$0x4110] =	vst v1  }
0x9d: {  	v1 =	vld [tilespmem:s26+$0xFFFFE020]  }
0x9e: {  	v2 =	vld [tilespmem:s26+$0xFFFFE820];
	_ =	sdelay $0x1  }
0x9f: {  	v3 =	vld [tilespmem:s26+$0xFFFFF020];
	_ =	sdelay $0x1  }
0xa0: {  	v4 =	vld [tilespmem:s26+$0xFFFFF820]  }
0xa1: {  	v1 =	vadd.f32 v2, v1  }
0xa2: {  	v2 =	vld [tilespmem:s26+$0x20]  }
0xa3: {  	v1 =	vadd.f32 v3, v1  }
0xa4: {  	v3 =	vld [tilespmem:s26+$0x820]  }
0xa5: {  	v1 =	vadd.f32 v4, v1  }
0xa6: {  	v4 =	vld [tilespmem:s26+$0x1020]  }
0xa7: {  	v1 =	vadd.f32 v2, v1  }
0xa8: {  	v2 =	vld [tilespmem:s26+$0x1820]  }
0xa9: {  	v1 =	vadd.f32 v3, v1;
	_ =	sdelay $0x1  }
0xaa: {  	v1 =	vadd.f32 v4, v1;
	_ =	sdelay $0x1  }
0xab: {  	v1 =	vadd.f32 v2, v1;
	_ =	sdelay $0x1  }
0xac: {  	[tilespmem:s28+$0x4120] =	vst v1  }
0xad: {  	v1 =	vld [tilespmem:s26+$0xFFFFE030]  }
0xae: {  	v2 =	vld [tilespmem:s26+$0xFFFFE830]  }
0xaf: {  	v4 =	vld [tilespmem:s26+$0xFFFFF030]  }
0xb0: {  	v5 =	vld [tilespmem:s26+$0xFFFFF830]  }
0xb1: {  	v6 =	vld [tilespmem:s26+$0x30]  }
0xb2: {  	v3 =	vld [tilespmem:s26+$0x830]  }
0xb3: {  	v7 =	vadd.f32 v2, v1;
	v2 =	vld [tilespmem:s26+$0x1030]  }
0xb4: {  	v1 =	vld [tilespmem:s26+$0x1830]  }
.Ltmp0:
0xb5: {  	v4 =	vadd.f32 v4, v7;
	[tilespmem:s28+$0x4140] =	vst v0;
	(pc) =	sbr.rel @p0 .LBB2_2-.Ltmp0, $4  }
0xb6: {  	[tilespmem:s28+$0x4150] =	vst v0  }
0xb7: {  	v4 =	vadd.f32 v5, v4;
	[tilespmem:s28+$0x4160] =	vst v0  }
0xb8: {  	[tilespmem:s28+$0x4170] =	vst v0  }
0xb9: {  	v4 =	vadd.f32 v6, v4  }
0xba: {  	_ = 	snop  }
0xbb: {  	v3 =	vadd.f32 v3, v4;
	_ =	sdelay $0x1  }
0xbc: {  	v2 =	vadd.f32 v2, v3;
	_ =	sdelay $0x1  }
0xbd: {  	s25 =	sadd.s32 $0x1, s25;
	v1 =	vadd.f32 v1, v2  }
0xbe: {  	p0 =	sne.s32 s25, s6  }
.Ltmp1:
0xbf: {  	[tilespmem:s28+$0x4130] =	vst v1;
	(pc) =	sbr.rel @p0 .LBB2_1-.Ltmp1, $4  }
0xc0: {  	[hbm4b:s5+s2] =	stream.linear.scatter [tilespmem:s24], [sflag:$0x2], $0x1000, $0x38;
	[tilespmem:$0x5100] =	vst v63  }
0xc1: {  	_ =	swait.ge [sflag:s9], $0x1000  }
0xc2: {  	[sflag:s9] =	ssyncset.done $0x0  }
0xc3: {  	[sflag:s9] =	ssyncadd.s32 $0xFFFFF000  }
0xc4: {  	_ =	sfence.sel $0x180000  }
0xc5: {  	[bflag:$0x0] =	sbarrier.arrive $0xFFFF  }
0xc6: {  	p0 =	sne.s32 s1, $0x0;
	_ =	strace $0x90000047  }
0xc7: {  	s0 =	sadd.s32 @!p0 $0x100000, s0;
	[bflag:$0x2] =	sbarrier.arrive $0xFFFF  }
0xc8: {  	[sflag:s0] =	ssyncadd.tile.s32 @!p0 $0x1;
	_ =	shalt  }
.Lfunc_end2:
_tile_overlayer_lowered:
.L_overlay_start_2:
0xc9: {  	(tag) =	ssettag $0x2  }
0xca: {  	s0 =	rddreg [dreg:$0x0];
	s2 =	stileid.u32  }
0xcb: {  	s1 =	rddreg [dreg:$0x1];
	p0 =	sne.s32 s2, $0x0  }
0xcc: {  	s3 =	rddreg [dreg:$0x2];
	[bflag:$0x3] =	sbarrier.arrive $0xFFFF;
	s2 =	simm.s32 @!p0 $0x1C02  }
0xcd: {  	[timem:s3], [sflag:s2] =	dma.local @!p0 [hbm:s0], s1  }
0xce: {  	s0 =	simm.s32 @!p0 $0x2  }
0xcf: {  	_ =	swait.ge @!p0 [sflag:s0], s1  }
0xd0: {  	s1 =	ssub.s32 @!p0 $0x0, s1;
	[sflag:s0] =	ssyncset.done @!p0 $0x0  }
0xd1: {  	[sflag:s0] =	ssyncadd.s32 @!p0 s1  }
0xd2: {  	[bflag:$0x3] =	sbarrier.arrive $0xFFFF  }
0xd3: {  	_ =	shalt  }

</sc_bundles>
